<compile_context>
chip_gen: v7x
topology: tpu7x:2x2x1
jax: 0.10.2.dev20260603
libtpu: 0.0.44.dev20260713+nightly
codegen_flags: <defaults>
</compile_context>

<pallas_src>
import functools

import jax
import jax.numpy as jnp
import numpy as np
from jax import lax
from jax.experimental import pallas as pl
from jax.experimental.pallas import tpu as pltpu
from jax.experimental.pallas import tpu_sc as plsc

NPOINT = 512
RADIUS = 0.2
NSAMPLE = 64
R2 = float(RADIUS) ** 2

SC_CORES = 2
SC_SUBCORES = 16
SC_WORKERS = SC_CORES * SC_SUBCORES
SC_LANES = 16


def _fps_body(xyz_ref, cent_ref, nx_ref):
    x = xyz_ref[...]
    bsz, _, n = x.shape
    x0 = x[:, 0, :]
    x1 = x[:, 1, :]
    x2 = x[:, 2, :]
    m0 = jnp.mean(x0, axis=1, keepdims=True)
    m1 = jnp.mean(x1, axis=1, keepdims=True)
    m2 = jnp.mean(x2, axis=1, keepdims=True)
    dist0 = (x0 - m0) ** 2 + (x1 - m1) ** 2 + (x2 - m2) ** 2
    distance = jnp.minimum(jnp.full((bsz, n), 1e10, jnp.float32), dist0)
    lane = lax.broadcasted_iota(jnp.int32, (bsz, n), 1)
    scol = lax.broadcasted_iota(jnp.int32, (bsz, NPOINT), 1)

    def argmax_rows(d):
        mv = jnp.max(d, axis=1, keepdims=True)
        return jnp.min(jnp.where(d == mv, lane, n), axis=1, keepdims=True)

    far = argmax_rows(distance)
    cent = jnp.zeros((bsz, NPOINT), jnp.int32)
    nx0 = jnp.zeros((bsz, NPOINT), jnp.float32)
    nx1 = jnp.zeros((bsz, NPOINT), jnp.float32)
    nx2 = jnp.zeros((bsz, NPOINT), jnp.float32)

    lane3 = lax.broadcasted_iota(jnp.int32, (bsz, 3, n), 2)

    def body(i, carry):
        distance, far, cent, nx0, nx1, nx2 = carry
        oh3 = lane3 == far[:, None, :]
        c = jnp.sum(jnp.where(oh3, x, 0.0), axis=2, keepdims=True)
        c0 = c[:, 0]
        c1 = c[:, 1]
        c2 = c[:, 2]
        sel = scol == i
        cent = jnp.where(sel, far, cent)
        nx0 = jnp.where(sel, c0, nx0)
        nx1 = jnp.where(sel, c1, nx1)
        nx2 = jnp.where(sel, c2, nx2)
        d = (x0 - c0) ** 2 + (x1 - c1) ** 2 + (x2 - c2) ** 2
        distance = jnp.minimum(distance, d)
        far = argmax_rows(distance)
        return (distance, far, cent, nx0, nx1, nx2)

    carry = (distance, far, cent, nx0, nx1, nx2)
    _, _, cent, nx0, nx1, nx2 = lax.fori_loop(0, NPOINT, body, carry)
    cent_ref[...] = cent
    nx_ref[:, 0, :] = nx0
    nx_ref[:, 1, :] = nx1
    nx_ref[:, 2, :] = nx2


def _fps(xyz):
    bsz = xyz.shape[0]
    return pl.pallas_call(
        _fps_body,
        out_shape=[
            jax.ShapeDtypeStruct((bsz, NPOINT), jnp.int32),
            jax.ShapeDtypeStruct((bsz, 3, NPOINT), jnp.float32),
        ],
    )(xyz)


def _g1_body(xyz_ref, pts_ref, nx_ref, w1_ref, b1_ref, g1_ref, u1_ref):
    pts = pts_ref[0]
    xyzrow = xyz_ref[0, 0]
    nxrow = nx_ref[0, 0]
    w1 = w1_ref[...]
    b1 = b1_ref[...]
    w01 = w1[:, 0] + w1[:, 1]
    w1p = w1[:, 2:]
    g = lax.dot_general(pts, w1p, (((0,), (1,)), ((), ())),
                        preferred_element_type=jnp.float32)
    g = g + xyzrow[:, None] * w01[None, :]
    g1_ref[0] = g
    u1_ref[0] = b1 - nxrow[:, None] * w1[:, 0][None, :]


def _g1_u1(xyz, points, nxyz, W1, b1):
    b3, d, n = points.shape
    c1 = W1.shape[0]
    return pl.pallas_call(
        _g1_body,
        grid=(b3,),
        in_specs=[
            pl.BlockSpec((1, 1, n), lambda i: (i, 0, 0)),
            pl.BlockSpec((1, d, n), lambda i: (i, 0, 0)),
            pl.BlockSpec((1, 1, NPOINT), lambda i: (i, 0, 0)),
            pl.BlockSpec((c1, d + 2), lambda i: (0, 0)),
            pl.BlockSpec((1, c1), lambda i: (0, 0)),
        ],
        out_specs=[
            pl.BlockSpec((1, n, c1), lambda i: (i, 0, 0)),
            pl.BlockSpec((1, NPOINT, c1), lambda i: (i, 0, 0)),
        ],
        out_shape=[
            jax.ShapeDtypeStruct((b3, n, c1), jnp.float32),
            jax.ShapeDtypeStruct((b3, NPOINT, c1), jnp.float32),
        ],
    )(xyz.reshape(b3, 1, n), points, nxyz.reshape(b3, 1, NPOINT),
      W1, b1.reshape(1, c1))


def _flags_body(nx_ref, xt_ref, f_ref):
    src = nx_ref[0]
    dst = xt_ref[0]
    mm = lax.dot_general(src, dst, (((1,), (1,)), ((), ())))
    dist = -2.0 * mm
    dist = dist + jnp.sum(src ** 2, -1)[:, None]
    dist = dist + jnp.sum(dst ** 2, -1)[None, :]
    f_ref[0] = (dist <= R2).astype(jnp.int32)


def _flags(nx_t, xyz_t):
    bsz, n, _ = xyz_t.shape
    return pl.pallas_call(
        _flags_body,
        grid=(bsz,),
        in_specs=[pl.BlockSpec((1, NPOINT, 3), lambda i: (i, 0, 0)),
                  pl.BlockSpec((1, n, 3), lambda i: (i, 0, 0))],
        out_specs=pl.BlockSpec((1, NPOINT, n), lambda i: (i, 0, 0)),
        out_shape=jax.ShapeDtypeStruct((bsz, NPOINT, n), jnp.int32),
    )(nx_t, xyz_t)


def _select_sc(flags):
    rows = flags.shape[0] * flags.shape[1]
    n = flags.shape[2]
    flags = flags.reshape(rows, n)
    rows_per_w = rows // SC_WORKERS
    slab_rows = 16
    nslabs = rows_per_w // slab_rows
    nchunks = n // SC_LANES
    mesh = plsc.VectorSubcoreMesh(core_axis_name="c", subcore_axis_name="s",
                                  num_cores=SC_CORES, num_subcores=SC_SUBCORES)

    @functools.partial(
        pl.kernel,
        out_type=jax.ShapeDtypeStruct((rows, NSAMPLE), jnp.int32),
        mesh=mesh,
        compiler_params=pltpu.CompilerParams(needs_layout_passes=False),
        scratch_types=[
            pltpu.VMEM((slab_rows, n), jnp.int32),
            pltpu.VMEM((rows_per_w, NSAMPLE), jnp.int32),
        ],
    )
    def sel(f_hbm, idx_hbm, slabv, bufv):
        wid = lax.axis_index("s") * SC_CORES + lax.axis_index("c")
        lanes = lax.broadcasted_iota(jnp.int32, (SC_LANES,), 0)
        zeros = jnp.zeros((SC_LANES,), jnp.int32)

        def slab_body(sl, _):
            pltpu.sync_copy(
                f_hbm.at[pl.ds(wid * rows_per_w + sl * slab_rows, slab_rows)],
                slabv)

            def row_body(j2, _):
                rowv = jnp.full((SC_LANES,), j2, jnp.int32)
                browv = sl * slab_rows + rowv
                unroll = 8
                nsup = nchunks // unroll

                def cond(carry):
                    sup, cntv = carry
                    return jnp.logical_and(sup < nsup,
                                           jnp.max(cntv) < NSAMPLE)

                def step(carry):
                    sup, cntv = carry
                    for k in range(unroll):
                        col = (sup * unroll + k) * SC_LANES + lanes
                        mi = plsc.load_gather(slabv, [rowv, col])
                        m = mi == 1
                        incl = plsc.cumsum(mi)
                        pos = cntv + incl - mi
                        mstore = jnp.logical_and(m, pos < NSAMPLE)
                        plsc.store_scatter(bufv, [browv, pos], col,
                                           mask=mstore)
                        cntv = cntv + plsc.all_reduce_population_count(m)
                    return (sup + 1, cntv)

                _, cntv = lax.while_loop(
                    cond, step,
                    (jnp.int32(0), jnp.zeros((SC_LANES,), jnp.int32)))
                cnt = jnp.max(cntv)

                firstv = plsc.load_gather(bufv, [browv, zeros])
                for mch in range(NSAMPLE // SC_LANES):
                    slots = mch * SC_LANES + lanes
                    cur = plsc.load_gather(bufv, [browv, slots])
                    plsc.store_scatter(bufv, [browv, slots],
                                       jnp.where(slots < cnt, cur, firstv))
                return 0

            lax.fori_loop(0, slab_rows, row_body, 0)
            return 0

        lax.fori_loop(0, nslabs, slab_body, 0)
        pltpu.sync_copy(bufv, idx_hbm.at[pl.ds(wid * rows_per_w, rows_per_w)])

    return sel(flags)


def _gather_sc(g1flat, idxflat):
    total, c1 = g1flat.shape[0], g1flat.shape[1]
    nrows = idxflat.shape[0]
    rows_per_w = nrows // SC_WORKERS
    chunk = 128
    inner = 8
    slab = chunk * inner
    outer = rows_per_w // slab
    mesh = plsc.VectorSubcoreMesh(core_axis_name="c", subcore_axis_name="s",
                                  num_cores=SC_CORES, num_subcores=SC_SUBCORES)

    @functools.partial(
        pl.kernel,
        out_type=jax.ShapeDtypeStruct((nrows, c1), jnp.float32),
        mesh=mesh,
        compiler_params=pltpu.CompilerParams(needs_layout_passes=False,
                                             use_tc_tiling_on_sc=False),
        scratch_types=[
            pltpu.VMEM((rows_per_w,), jnp.int32),
            pltpu.VMEM((slab, c1), jnp.float32),
            pltpu.SemaphoreType.DMA,
        ],
    )
    def gat(tab_hbm, idx_hbm, out_hbm, idxv, rowsv, sem):
        wid = lax.axis_index("s") * SC_CORES + lax.axis_index("c")
        base = wid * rows_per_w
        pltpu.sync_copy(idx_hbm.at[pl.ds(base, rows_per_w)], idxv)

        def outer_body(o, _):
            handles = []
            for k in range(inner):
                src = tab_hbm.at[idxv.at[pl.ds(o * slab + k * chunk, chunk)]]
                dst = rowsv.at[pl.ds(k * chunk, chunk)]
                handles.append(pltpu.async_copy(src, dst, sem))
            for h in handles:
                h.wait()
            pltpu.sync_copy(rowsv, out_hbm.at[pl.ds(base + o * slab, slab)])
            return 0

        lax.fori_loop(0, outer, outer_body, 0)

    return gat(g1flat, idxflat)


def _qrelu_triple(y):
    q2 = y[0] * y[0] + y[1] * y[1] + y[2] * y[2]
    coef = jnp.sqrt(jnp.minimum(q2, 1.0))
    return y * coef[None]


def _stats1_body(x_ref, u_ref, ss_ref):
    i = pl.program_id(0)
    j = pl.program_id(1)

    @pl.when(jnp.logical_and(i == 0, j == 0))
    def _():
        ss_ref[...] = jnp.zeros_like(ss_ref)

    x = x_ref[0]
    u = u_ref[0]
    sch, c = u.shape
    y = x.reshape(sch, NSAMPLE, c) + u[:, None, :]
    ss_ref[...] += jnp.sum(y * y, axis=(0, 1)).reshape(1, c)


def _stats1(x1, u1, sch):
    b3, nrows, c1 = x1.shape
    jgrid = NPOINT // sch
    return pl.pallas_call(
        _stats1_body,
        grid=(b3, jgrid),
        in_specs=[
            pl.BlockSpec((1, sch * NSAMPLE, c1), lambda i, j: (i, j, 0)),
            pl.BlockSpec((1, sch, c1), lambda i, j: (i, j, 0)),
        ],
        out_specs=pl.BlockSpec((1, c1), lambda i, j: (0, 0)),
        out_shape=jax.ShapeDtypeStruct((1, c1), jnp.float32),
    )(x1, u1)


def _layer2_body(x_ref, u_ref, ss1_ref, w2_ref, b2_ref, y2_ref, ss2_ref, *,
                 cnt1):
    b = pl.program_id(0)
    j = pl.program_id(1)

    @pl.when(jnp.logical_and(b == 0, j == 0))
    def _():
        ss2_ref[...] = jnp.zeros_like(ss2_ref)

    s1 = lax.rsqrt(ss1_ref[0] / cnt1 + 1e-5)
    x = x_ref[...]
    u = u_ref[...]
    _, sch, c1 = u.shape
    y1 = x.reshape(3, sch, NSAMPLE, c1) + u[:, :, None, :]
    y1 = y1 * s1[None, None, None, :]
    z1 = _qrelu_triple(y1).reshape(3, sch * NSAMPLE, c1)
    w2 = w2_ref[...]
    b2 = b2_ref[...]
    for c in range(3):
        y2 = lax.dot_general(z1[c].astype(jnp.bfloat16), w2,
                             (((1,), (1,)), ((), ())),
                             preferred_element_type=jnp.float32) + b2
        y2_ref[c] = y2.astype(jnp.bfloat16)
        ss2_ref[...] += jnp.sum(y2 * y2, axis=0).reshape(1, -1)


def _layer2(x1, u1, ss1, W2, b2, sch, cnt1):
    b3, nrows, c1 = x1.shape
    c2 = W2.shape[0]
    bsz = b3 // 3
    jgrid = NPOINT // sch
    return pl.pallas_call(
        functools.partial(_layer2_body, cnt1=cnt1),
        grid=(bsz, jgrid),
        in_specs=[
            pl.BlockSpec((3, sch * NSAMPLE, c1), lambda b, j: (b, j, 0)),
            pl.BlockSpec((3, sch, c1), lambda b, j: (b, j, 0)),
            pl.BlockSpec((1, c1), lambda b, j: (0, 0)),
            pl.BlockSpec((c2, c1), lambda b, j: (0, 0)),
            pl.BlockSpec((1, c2), lambda b, j: (0, 0)),
        ],
        out_specs=[
            pl.BlockSpec((3, sch * NSAMPLE, c2), lambda b, j: (b, j, 0)),
            pl.BlockSpec((1, c2), lambda b, j: (0, 0)),
        ],
        out_shape=[
            jax.ShapeDtypeStruct((b3, nrows, c2), jnp.bfloat16),
            jax.ShapeDtypeStruct((1, c2), jnp.float32),
        ],
    )(x1, u1, ss1, W2.astype(jnp.bfloat16), b2.reshape(1, c2))


def _stats3_body(y2_ref, ss2_ref, w3_ref, b3_ref, ss3_ref, *, cnt2):
    b = pl.program_id(0)
    j = pl.program_id(1)

    @pl.when(jnp.logical_and(b == 0, j == 0))
    def _():
        ss3_ref[...] = jnp.zeros_like(ss3_ref)

    s2 = lax.rsqrt(ss2_ref[0] / cnt2 + 1e-5)
    y2 = y2_ref[...].astype(jnp.float32)
    _, rows, c2 = y2.shape
    sch = rows // NSAMPLE
    y2 = y2.reshape(3, sch, NSAMPLE, c2) * s2[None, None, None, :]
    z2 = _qrelu_triple(y2).reshape(3, rows, c2)
    w3 = w3_ref[...]
    b3v = b3_ref[...]
    for c in range(3):
        y3 = lax.dot_general(z2[c].astype(jnp.bfloat16), w3,
                             (((1,), (1,)), ((), ())),
                             preferred_element_type=jnp.float32) + b3v
        ss3_ref[...] += jnp.sum(y3 * y3, axis=0).reshape(1, -1)


def _stats3(y2, ss2, W3, b3w, sch, cnt2):
    b3, nrows, c2 = y2.shape
    c3 = W3.shape[0]
    bsz = b3 // 3
    jgrid = NPOINT // sch
    return pl.pallas_call(
        functools.partial(_stats3_body, cnt2=cnt2),
        grid=(bsz, jgrid),
        in_specs=[
            pl.BlockSpec((3, sch * NSAMPLE, c2), lambda b, j: (b, j, 0)),
            pl.BlockSpec((1, c2), lambda b, j: (0, 0)),
            pl.BlockSpec((c3, c2), lambda b, j: (0, 0)),
            pl.BlockSpec((1, c3), lambda b, j: (0, 0)),
        ],
        out_specs=pl.BlockSpec((1, c3), lambda b, j: (0, 0)),
        out_shape=jax.ShapeDtypeStruct((1, c3), jnp.float32),
    )(y2, ss2, W3.astype(jnp.bfloat16), b3w.reshape(1, c3))


def _final_body(y2_ref, ss2_ref, ss3_ref, w3_ref, b3_ref, out_ref, *,
                cnt2, cnt3):
    s2 = lax.rsqrt(ss2_ref[0] / cnt2 + 1e-5)
    s3 = lax.rsqrt(ss3_ref[0] / cnt3 + 1e-5)
    y2 = y2_ref[...].astype(jnp.float32)
    _, rows, c2 = y2.shape
    sch = rows // NSAMPLE
    y2 = y2.reshape(3, sch, NSAMPLE, c2) * s2[None, None, None, :]
    z2 = _qrelu_triple(y2).reshape(3, rows, c2)
    w3 = w3_ref[...]
    b3v = b3_ref[...]
    c3 = w3.shape[0]
    y3l = []
    for c in range(3):
        y3 = lax.dot_general(z2[c].astype(jnp.bfloat16), w3,
                             (((1,), (1,)), ((), ())),
                             preferred_element_type=jnp.float32) + b3v
        y3l.append(y3.reshape(sch, NSAMPLE, c3))
    y3 = jnp.stack(y3l, axis=0) * s3[None, None, None, :]
    z3 = _qrelu_triple(y3)
    out_ref[...] = jnp.max(z3, axis=2)


def _final(y2, ss2, ss3, W3, b3w, sch, cnt2, cnt3):
    b3, nrows, c2 = y2.shape
    c3 = W3.shape[0]
    bsz = b3 // 3
    jgrid = NPOINT // sch
    return pl.pallas_call(
        functools.partial(_final_body, cnt2=cnt2, cnt3=cnt3),
        grid=(bsz, jgrid),
        in_specs=[
            pl.BlockSpec((3, sch * NSAMPLE, c2), lambda b, j: (b, j, 0)),
            pl.BlockSpec((1, c2), lambda b, j: (0, 0)),
            pl.BlockSpec((1, c3), lambda b, j: (0, 0)),
            pl.BlockSpec((c3, c2), lambda b, j: (0, 0)),
            pl.BlockSpec((1, c3), lambda b, j: (0, 0)),
        ],
        out_specs=pl.BlockSpec((3, sch, c3), lambda b, j: (b, j, 0)),
        out_shape=jax.ShapeDtypeStruct((b3, NPOINT, c3), jnp.float32),
    )(y2, ss2, ss3, W3.astype(jnp.bfloat16), b3w.reshape(1, c3))


def kernel(xyz, points, W1, b1, W2, b2, W3, b3):
    bsz, _, n = xyz.shape
    b3n, d, _ = points.shape
    c1 = W1.shape[0]

    cent, nxyz = _fps(xyz)

    g1, u1 = _g1_u1(xyz, points, nxyz, W1, b1)

    flags = _flags(jnp.transpose(nxyz, (0, 2, 1)),
                   jnp.transpose(xyz, (0, 2, 1)))
    idx = _select_sc(flags)

    offs = (jnp.arange(b3n, dtype=jnp.int32) * n).reshape(b3n, 1)
    idxb = jnp.broadcast_to(
        idx.reshape(bsz, 1, NPOINT * NSAMPLE), (bsz, 3, NPOINT * NSAMPLE)
    ).reshape(b3n, NPOINT * NSAMPLE) + offs
    x1 = _gather_sc(g1.reshape(b3n * n, c1), idxb.reshape(-1))
    x1 = x1.reshape(b3n, NPOINT * NSAMPLE, c1)

    sch = 64
    cnt = float(b3n * NPOINT * NSAMPLE)
    ss1 = _stats1(x1, u1, sch)
    y2, ss2 = _layer2(x1, u1, ss1, W2, b2, sch, cnt)
    ss3 = _stats3(y2, ss2, W3, b3, sch, cnt)
    new_points = _final(y2, ss2, ss3, W3, b3, sch, cnt, cnt)

    return nxyz, jnp.transpose(new_points, (0, 2, 1))

# --- scband reference (transcript-rebuilt; emitter-appended) ---
"""Pipeline reference for scband-point-net-set-abstraction-q-69982197121137 (READ-ONLY COPY).

The authoritative reference and input builder live on the scoring server;
editing this copy changes nothing except your own understanding.
"""

import jax, jax.numpy as jnp
import numpy as np

NPOINT = 512
RADIUS = 0.2
NSAMPLE = 64

def square_distance(src, dst):
    dist = -2.0 * jnp.matmul(src, jnp.transpose(dst, (0, 2, 1)))
    dist = dist + jnp.sum(src ** 2, -1)[:, :, None]
    dist = dist + jnp.sum(dst ** 2, -1)[:, None, :]
    return dist

def index_points(points, idx):
    return jax.vmap(lambda p, i: p[i])(points, idx)

def farthest_point_sample(xyz, npoint):
    B, N, _ = xyz.shape
    centroid0 = jnp.mean(xyz, axis=1, keepdims=True)
    dist0 = jnp.sum((xyz - centroid0) ** 2, -1)
    distance = jnp.minimum(jnp.full((B, N), 1e10, dtype=xyz.dtype), dist0)
    farthest = jnp.argmax(distance, axis=-1)
    centroids = jnp.zeros((B, npoint), dtype=jnp.int32)
    def body(i, carry):
        centroids, distance, farthest = carry
        centroids = centroids.at[:, i].set(farthest.astype(jnp.int32))
        centroid = xyz[jnp.arange(B), farthest, :][:, None, :]
        dist = jnp.sum((xyz - centroid) ** 2, -1)
        distance = jnp.minimum(distance, dist)
        farthest = jnp.argmax(distance, axis=-1)
        return (centroids, distance, farthest)
    centroids, _, _ = jax.lax.fori_loop(0, npoint, body, (centroids, distance, farthest))
    return centroids

def query_ball_point(radius, nsample, xyz, new_xyz):
    B, N, _ = xyz.shape
    S = new_xyz.shape[1]
    sqrdists = square_distance(new_xyz, xyz)
    group_idx = jnp.broadcast_to(jnp.arange(N), (B, S, N))
    group_idx = jnp.where(sqrdists > radius ** 2, N, group_idx)
    group_idx = jnp.sort(group_idx, axis=-1)[:, :, :nsample]
    group_first = jnp.broadcast_to(group_idx[:, :, :1], group_idx.shape)
    group_idx = jnp.where(group_idx == N, group_first, group_idx)
    return group_idx

def qbn(x, eps=1e-5):
    xd = jax.lax.stop_gradient(x)
    mean = jnp.mean(jnp.transpose(xd * xd, (1, 0, 2, 3)).reshape(x.shape[1], -1), axis=1)
    mod = jnp.sqrt(mean + eps)
    return x / mod[None, :, None, None]

def qrelu(x):
    b3, c, k, s = x.shape
    b = b3 // 3
    xd = jax.lax.stop_gradient(x).reshape(b, 3, c, k, s)
    mod = jnp.sqrt(jnp.sum(xd * xd, axis=1))
    coef = mod / jnp.maximum(mod, 1.0)
    coef = jnp.repeat(coef[:, None, :, :, :], 3, axis=1).reshape(b3, c, k, s)
    return coef * x

def setup_inputs(seed: int = 0):
    key = jax.random.key(seed)
    ks = jax.random.split(key, 8)
    B, N, D = 8, 4096, 64
    xyz = jax.random.uniform(ks[0], (B, 3, N), dtype=jnp.float32)
    points = jax.random.normal(ks[1], (B * 3, D, N), dtype=jnp.float32)
    c_in = D + 2
    mlp = [64, 64, 128]
    W1 = jax.random.normal(ks[2], (mlp[0], c_in), dtype=jnp.float32) * (1.0 / np.sqrt(c_in))
    b1 = jnp.zeros((mlp[0],), dtype=jnp.float32)
    W2 = jax.random.normal(ks[3], (mlp[1], mlp[0]), dtype=jnp.float32) * (1.0 / np.sqrt(mlp[0]))
    b2 = jnp.zeros((mlp[1],), dtype=jnp.float32)
    W3 = jax.random.normal(ks[4], (mlp[2], mlp[1]), dtype=jnp.float32) * (1.0 / np.sqrt(mlp[1]))
    b3 = jnp.zeros((mlp[2],), dtype=jnp.float32)
    return {"xyz": xyz, "points": points, "W1": W1, "b1": b1, "W2": W2, "b2": b2, "W3": W3, "b3": b3}

def reference(xyz, points, W1, b1, W2, b2, W3, b3):
    xyz_t = jnp.transpose(xyz, (0, 2, 1))
    points_t = jnp.transpose(points, (0, 2, 1))
    B, N, C = xyz_t.shape
    fps_idx = farthest_point_sample(jax.lax.stop_gradient(xyz_t), NPOINT)
    new_xyz = index_points(xyz_t, fps_idx)
    idx = query_ball_point(RADIUS, NSAMPLE, jax.lax.stop_gradient(xyz_t), jax.lax.stop_gradient(new_xyz))
    grouped_xyz = index_points(xyz_t, idx)
    grouped_xyz_norm = grouped_xyz - new_xyz[:, :, None, :]
    g_xyz = jnp.transpose(grouped_xyz, (0, 3, 1, 2)).reshape(B * 3, NPOINT, NSAMPLE, 1)
    g_norm = jnp.transpose(grouped_xyz_norm, (0, 3, 1, 2)).reshape(B * 3, NPOINT, NSAMPLE, 1)
    idx3 = jnp.repeat(idx[:, None, :, :], 3, axis=1).reshape(B * 3, NPOINT, NSAMPLE)
    grouped_points = index_points(points_t, idx3)
    new_points = jnp.concatenate([g_norm, g_xyz, grouped_points], axis=-1)
    new_points = jnp.transpose(new_points, (0, 3, 2, 1))
    for W, b in ((W1, b1), (W2, b2), (W3, b3)):
        new_points = jnp.einsum('oc,bckn->bokn', W, new_points) + b[None, :, None, None]
        new_points = qrelu(qbn(new_points))
    new_points = jnp.max(new_points, axis=2)
    new_xyz_out = jnp.transpose(new_xyz, (0, 2, 1))
    return (new_xyz_out, new_points)

if __name__ == "__main__":
    import jax
    _d = setup_inputs()
    print(jax.jit(kernel)(*tuple(_d.values())))

</pallas_src>

<mosaic_0001>
#map = affine_map<(d0, d1) -> (0, 0)>
module attributes {stable_mosaic.version = 14 : i64} {
  func.func @sel(%arg0: i32, %arg1: i32, %arg2: memref<4096x4096xi32, #tpu.memory_space<hbm>>, %arg3: memref<4096x64xi32, #tpu.memory_space<hbm>>, %arg4: memref<16x4096xi32, #tpu.memory_space<vmem>>, %arg5: memref<128x64xi32, #tpu.memory_space<vmem>>) attributes {dimension_semantics = [#tpu.dimension_semantics<core_parallel>, #tpu.dimension_semantics<subcore_parallel>], iteration_bounds = array<i64: 2, 16>, scalar_prefetch = 0 : i64, scratch_operands = 2 : i64, tpu.core_type = #tpu.core_type<sc_vector_subcore>, window_params = [{transform_indices = #map}, {transform_indices = #map}]} {
    %mul3A = arith.constant 2 : i32
    %mul3A_0 = arith.muli %arg1, %mul3A : i32
    %add3A = arith.addi %mul3A_0, %arg0 : i32
    %iota3A = tpu.iota {dimensions = array<i32: 0>} : vector<16xi32>
    %broadcast_in_dim3A = arith.constant 0 : i32
    %broadcast_in_dim3A_1 = vector.broadcast %broadcast_in_dim3A : i32 to vector<16xi32>
    %scan3A = arith.constant 0 : i32
    %scan3A_2 = arith.constant 0 : i32
    %scan3A_3 = arith.constant 8 : i32
    %scan3A_4 = arith.addi %scan3A_2, %scan3A_3 : i32
    %scan3A_5 = arith.constant 1 : i32
    %scan3A_6 = scf.for %scan3A_10 = %scan3A_2 to %scan3A_4 step %scan3A_5 iter_args(%scan3A_11 = %scan3A) -> (i32)  : i32 {
      %mul3A_12 = arith.constant 128 : i32
      %mul3A_13 = arith.muli %add3A, %mul3A_12 : i32
      %mul3A_14 = arith.constant 16 : i32
      %mul3A_15 = arith.muli %scan3A_10, %mul3A_14 : i32
      %add3A_16 = arith.addi %mul3A_13, %mul3A_15 : i32
      "tpu.region"() ({
        %run_scoped3A = tpu.sem_alloc : memref<!tpu.dma_semaphore, #tpu.memory_space<semaphore_mem>>
        %dma_start3A = arith.constant 0 : i32
        %dma_start3A_25 = tpu.memref_slice %arg2[%add3A_16, %dma_start3A] : memref<4096x4096xi32, #tpu.memory_space<hbm>> -> memref<16x4096xi32, #tpu.memory_space<hbm>>
        %dma_start3A_26 = arith.constant 0 : i32
        %dma_start3A_27 = tpu.memref_slice %arg2[%add3A_16, %dma_start3A_26] : memref<4096x4096xi32, #tpu.memory_space<hbm>> -> memref<16x4096xi32, #tpu.memory_space<hbm>>
        tpu.enqueue_dma source(%dma_start3A_27 : memref<16x4096xi32, #tpu.memory_space<hbm>>) target(%arg4 : memref<16x4096xi32, #tpu.memory_space<vmem>>) target_semaphore(%run_scoped3A : memref<!tpu.dma_semaphore, #tpu.memory_space<semaphore_mem>>)
        %dma_wait3A = arith.constant 0 : i32
        %dma_wait3A_28 = tpu.memref_slice %arg2[%add3A_16, %dma_wait3A] : memref<4096x4096xi32, #tpu.memory_space<hbm>> -> memref<16x4096xi32, #tpu.memory_space<hbm>>
        %dma_wait3A_29 = arith.constant 0 : i32
        %dma_wait3A_30 = tpu.memref_slice %arg2[%add3A_16, %dma_wait3A_29] : memref<4096x4096xi32, #tpu.memory_space<hbm>> -> memref<16x4096xi32, #tpu.memory_space<hbm>>
        tpu.wait_dma2 semaphore(%run_scoped3A : memref<!tpu.dma_semaphore, #tpu.memory_space<semaphore_mem>>) src(%dma_wait3A_30 : memref<16x4096xi32, #tpu.memory_space<hbm>>) dst(%arg4 : memref<16x4096xi32, #tpu.memory_space<vmem>>)
        tpu.yield
      }) : () -> ()
      %scan3A_17 = arith.constant 0 : i32
      %scan3A_18 = arith.constant 0 : i32
      %scan3A_19 = arith.constant 16 : i32
      %scan3A_20 = arith.addi %scan3A_18, %scan3A_19 : i32
      %scan3A_21 = arith.constant 1 : i32
      %scan3A_22 = scf.for %scan3A_25 = %scan3A_18 to %scan3A_20 step %scan3A_21 iter_args(%scan3A_26 = %scan3A_17) -> (i32)  : i32 {
        %broadcast_in_dim3A_27 = vector.broadcast %scan3A_25 : i32 to vector<16xi32>
        %mul3A_28 = arith.constant 16 : i32
        %mul3A_29 = arith.muli %scan3A_10, %mul3A_28 : i32
        %add3A_30 = vector.broadcast %mul3A_29 : i32 to vector<16xi32>
        %add3A_31 = arith.addi %add3A_30, %broadcast_in_dim3A_27 : vector<16xi32>
        %broadcast_in_dim3A_32 = arith.constant 0 : i32
        %broadcast_in_dim3A_33 = vector.broadcast %broadcast_in_dim3A_32 : i32 to vector<16xi32>
        %while3A = arith.constant 0 : i32
        %while3A_34:2 = scf.while (%while3A_69 = %while3A, %while3A_70 = %broadcast_in_dim3A_33) : (i32, vector<16xi32>) -> (i32, vector<16xi32>) {
          %lt3A_71 = arith.constant 32 : i32
          %lt3A_72 = arith.cmpi slt, %while3A_69, %lt3A_71 : i32
          %reduce_max3A_73 = arith.constant true
          %reduce_max3A_74 = vector.broadcast %reduce_max3A_73 : i1 to vector<16xi1>
          %reduce_max3A_75 = arith.constant -2147483648 : i32
          %reduce_max3A_76 = vector.broadcast %reduce_max3A_75 : i32 to vector<16xi32>
          %reduce_max3A_77 = arith.xori %while3A_70, %reduce_max3A_76 : vector<16xi32>
          %reduce_max3A_78 = tpu.scan <max>, %reduce_max3A_77 masked %reduce_max3A_74 : vector<16xi32>, vector<16xi1> -> vector<16xi32>
          %reduce_max3A_79 = arith.xori %reduce_max3A_78, %reduce_max3A_76 : vector<16xi32>
          %reduce_max3A_80 = vector.extract %reduce_max3A_79[15] : i32 from vector<16xi32>
          %lt3A_81 = arith.constant 64 : i32
          %lt3A_82 = arith.cmpi slt, %reduce_max3A_80, %lt3A_81 : i32
          %and3A = arith.andi %lt3A_72, %lt3A_82 : i1
          scf.condition(%and3A) %while3A_69, %while3A_70 : i32, vector<16xi32>
        } do {
        ^bb0(%while3A_69: i32, %while3A_70: vector<16xi32>):
          %mul3A_71 = arith.constant 8 : i32
          %mul3A_72 = arith.muli %while3A_69, %mul3A_71 : i32
          %add3A_73 = arith.constant 0 : i32
          %add3A_74 = arith.addi %mul3A_72, %add3A_73 : i32
          %mul3A_75 = arith.constant 16 : i32
          %mul3A_76 = arith.muli %add3A_74, %mul3A_75 : i32
          %add3A_77 = vector.broadcast %mul3A_76 : i32 to vector<16xi32>
          %add3A_78 = arith.addi %add3A_77, %iota3A : vector<16xi32>
          %gather3A_79 = tpu.vector_load_idx %arg4[%broadcast_in_dim3A_27, %add3A_78] : memref<16x4096xi32, #tpu.memory_space<vmem>>[vector<16xi32>, vector<16xi32>], vector<16xi32>,
          %eq3A = arith.constant 1 : i32
          %eq3A_80 = vector.broadcast %eq3A : i32 to vector<16xi32>
          %eq3A_81 = arith.cmpi eq, %gather3A_79, %eq3A_80 : vector<16xi32>
          %broadcast_in_dim3A_82 = arith.constant true
          %broadcast_in_dim3A_83 = vector.broadcast %broadcast_in_dim3A_82 : i1 to vector<16xi1>
          %masked_cumsum3A = tpu.scan <sum>, %gather3A_79 masked %broadcast_in_dim3A_83 : vector<16xi32>, vector<16xi1> -> vector<16xi32>
          %add3A_84 = arith.addi %while3A_70, %masked_cumsum3A : vector<16xi32>
          %sub3A = arith.subi %add3A_84, %gather3A_79 : vector<16xi32>
          %lt3A_85 = arith.constant 64 : i32
          %lt3A_86 = vector.broadcast %lt3A_85 : i32 to vector<16xi32>
          %lt3A_87 = arith.cmpi slt, %sub3A, %lt3A_86 : vector<16xi32>
          %and3A = arith.andi %eq3A_81, %lt3A_87 : vector<16xi1>
          tpu.vector_store_idx %arg5[%add3A_31, %sub3A], %add3A_78 masked %and3A : memref<128x64xi32, #tpu.memory_space<vmem>>[vector<16xi32>, vector<16xi32>], vector<16xi32>, vector<16xi1>
          %all_reduce_population_count3A = tpu.all_reduce %eq3A_81 {dim = 0 : i64, kind = #tpu.reduction_kind<sum>} : vector<16xi1> -> vector<16xi32>
          %add3A_88 = arith.addi %while3A_70, %all_reduce_population_count3A : vector<16xi32>
          %mul3A_89 = arith.constant 8 : i32
          %mul3A_90 = arith.muli %while3A_69, %mul3A_89 : i32
          %add3A_91 = arith.constant 1 : i32
          %add3A_92 = arith.addi %mul3A_90, %add3A_91 : i32
          %mul3A_93 = arith.constant 16 : i32
          %mul3A_94 = arith.muli %add3A_92, %mul3A_93 : i32
          %add3A_95 = vector.broadcast %mul3A_94 : i32 to vector<16xi32>
          %add3A_96 = arith.addi %add3A_95, %iota3A : vector<16xi32>
          %gather3A_97 = tpu.vector_load_idx %arg4[%broadcast_in_dim3A_27, %add3A_96] : memref<16x4096xi32, #tpu.memory_space<vmem>>[vector<16xi32>, vector<16xi32>], vector<16xi32>,
          %eq3A_98 = arith.constant 1 : i32
          %eq3A_99 = vector.broadcast %eq3A_98 : i32 to vector<16xi32>
          %eq3A_100 = arith.cmpi eq, %gather3A_97, %eq3A_99 : vector<16xi32>
          %broadcast_in_dim3A_101 = arith.constant true
          %broadcast_in_dim3A_102 = vector.broadcast %broadcast_in_dim3A_101 : i1 to vector<16xi1>
          %masked_cumsum3A_103 = tpu.scan <sum>, %gather3A_97 masked %broadcast_in_dim3A_102 : vector<16xi32>, vector<16xi1> -> vector<16xi32>
          %add3A_104 = arith.addi %add3A_88, %masked_cumsum3A_103 : vector<16xi32>
          %sub3A_105 = arith.subi %add3A_104, %gather3A_97 : vector<16xi32>
          %lt3A_106 = arith.constant 64 : i32
          %lt3A_107 = vector.broadcast %lt3A_106 : i32 to vector<16xi32>
          %lt3A_108 = arith.cmpi slt, %sub3A_105, %lt3A_107 : vector<16xi32>
          %and3A_109 = arith.andi %eq3A_100, %lt3A_108 : vector<16xi1>
          tpu.vector_store_idx %arg5[%add3A_31, %sub3A_105], %add3A_96 masked %and3A_109 : memref<128x64xi32, #tpu.memory_space<vmem>>[vector<16xi32>, vector<16xi32>], vector<16xi32>, vector<16xi1>
          %all_reduce_population_count3A_110 = tpu.all_reduce %eq3A_100 {dim = 0 : i64, kind = #tpu.reduction_kind<sum>} : vector<16xi1> -> vector<16xi32>
          %add3A_111 = arith.addi %add3A_88, %all_reduce_population_count3A_110 : vector<16xi32>
          %mul3A_112 = arith.constant 8 : i32
          %mul3A_113 = arith.muli %while3A_69, %mul3A_112 : i32
          %add3A_114 = arith.constant 2 : i32
          %add3A_115 = arith.addi %mul3A_113, %add3A_114 : i32
          %mul3A_116 = arith.constant 16 : i32
          %mul3A_117 = arith.muli %add3A_115, %mul3A_116 : i32
          %add3A_118 = vector.broadcast %mul3A_117 : i32 to vector<16xi32>
          %add3A_119 = arith.addi %add3A_118, %iota3A : vector<16xi32>
          %gather3A_120 = tpu.vector_load_idx %arg4[%broadcast_in_dim3A_27, %add3A_119] : memref<16x4096xi32, #tpu.memory_space<vmem>>[vector<16xi32>, vector<16xi32>], vector<16xi32>,
          %eq3A_121 = arith.constant 1 : i32
          %eq3A_122 = vector.broadcast %eq3A_121 : i32 to vector<16xi32>
          %eq3A_123 = arith.cmpi eq, %gather3A_120, %eq3A_122 : vector<16xi32>
          %broadcast_in_dim3A_124 = arith.constant true
          %broadcast_in_dim3A_125 = vector.broadcast %broadcast_in_dim3A_124 : i1 to vector<16xi1>
          %masked_cumsum3A_126 = tpu.scan <sum>, %gather3A_120 masked %broadcast_in_dim3A_125 : vector<16xi32>, vector<16xi1> -> vector<16xi32>
          %add3A_127 = arith.addi %add3A_111, %masked_cumsum3A_126 : vector<16xi32>
          %sub3A_128 = arith.subi %add3A_127, %gather3A_120 : vector<16xi32>
          %lt3A_129 = arith.constant 64 : i32
          %lt3A_130 = vector.broadcast %lt3A_129 : i32 to vector<16xi32>
          %lt3A_131 = arith.cmpi slt, %sub3A_128, %lt3A_130 : vector<16xi32>
          %and3A_132 = arith.andi %eq3A_123, %lt3A_131 : vector<16xi1>
          tpu.vector_store_idx %arg5[%add3A_31, %sub3A_128], %add3A_119 masked %and3A_132 : memref<128x64xi32, #tpu.memory_space<vmem>>[vector<16xi32>, vector<16xi32>], vector<16xi32>, vector<16xi1>
          %all_reduce_population_count3A_133 = tpu.all_reduce %eq3A_123 {dim = 0 : i64, kind = #tpu.reduction_kind<sum>} : vector<16xi1> -> vector<16xi32>
          %add3A_134 = arith.addi %add3A_111, %all_reduce_population_count3A_133 : vector<16xi32>
          %mul3A_135 = arith.constant 8 : i32
          %mul3A_136 = arith.muli %while3A_69, %mul3A_135 : i32
          %add3A_137 = arith.constant 3 : i32
          %add3A_138 = arith.addi %mul3A_136, %add3A_137 : i32
          %mul3A_139 = arith.constant 16 : i32
          %mul3A_140 = arith.muli %add3A_138, %mul3A_139 : i32
          %add3A_141 = vector.broadcast %mul3A_140 : i32 to vector<16xi32>
          %add3A_142 = arith.addi %add3A_141, %iota3A : vector<16xi32>
          %gather3A_143 = tpu.vector_load_idx %arg4[%broadcast_in_dim3A_27, %add3A_142] : memref<16x4096xi32, #tpu.memory_space<vmem>>[vector<16xi32>, vector<16xi32>], vector<16xi32>,
          %eq3A_144 = arith.constant 1 : i32
          %eq3A_145 = vector.broadcast %eq3A_144 : i32 to vector<16xi32>
          %eq3A_146 = arith.cmpi eq, %gather3A_143, %eq3A_145 : vector<16xi32>
          %broadcast_in_dim3A_147 = arith.constant true
          %broadcast_in_dim3A_148 = vector.broadcast %broadcast_in_dim3A_147 : i1 to vector<16xi1>
          %masked_cumsum3A_149 = tpu.scan <sum>, %gather3A_143 masked %broadcast_in_dim3A_148 : vector<16xi32>, vector<16xi1> -> vector<16xi32>
          %add3A_150 = arith.addi %add3A_134, %masked_cumsum3A_149 : vector<16xi32>
          %sub3A_151 = arith.subi %add3A_150, %gather3A_143 : vector<16xi32>
          %lt3A_152 = arith.constant 64 : i32
          %lt3A_153 = vector.broadcast %lt3A_152 : i32 to vector<16xi32>
          %lt3A_154 = arith.cmpi slt, %sub3A_151, %lt3A_153 : vector<16xi32>
          %and3A_155 = arith.andi %eq3A_146, %lt3A_154 : vector<16xi1>
          tpu.vector_store_idx %arg5[%add3A_31, %sub3A_151], %add3A_142 masked %and3A_155 : memref<128x64xi32, #tpu.memory_space<vmem>>[vector<16xi32>, vector<16xi32>], vector<16xi32>, vector<16xi1>
          %all_reduce_population_count3A_156 = tpu.all_reduce %eq3A_146 {dim = 0 : i64, kind = #tpu.reduction_kind<sum>} : vector<16xi1> -> vector<16xi32>
          %add3A_157 = arith.addi %add3A_134, %all_reduce_population_count3A_156 : vector<16xi32>
          %mul3A_158 = arith.constant 8 : i32
          %mul3A_159 = arith.muli %while3A_69, %mul3A_158 : i32
          %add3A_160 = arith.constant 4 : i32
          %add3A_161 = arith.addi %mul3A_159, %add3A_160 : i32
          %mul3A_162 = arith.constant 16 : i32
          %mul3A_163 = arith.muli %add3A_161, %mul3A_162 : i32
          %add3A_164 = vector.broadcast %mul3A_163 : i32 to vector<16xi32>
          %add3A_165 = arith.addi %add3A_164, %iota3A : vector<16xi32>
          %gather3A_166 = tpu.vector_load_idx %arg4[%broadcast_in_dim3A_27, %add3A_165] : memref<16x4096xi32, #tpu.memory_space<vmem>>[vector<16xi32>, vector<16xi32>], vector<16xi32>,
          %eq3A_167 = arith.constant 1 : i32
          %eq3A_168 = vector.broadcast %eq3A_167 : i32 to vector<16xi32>
          %eq3A_169 = arith.cmpi eq, %gather3A_166, %eq3A_168 : vector<16xi32>
          %broadcast_in_dim3A_170 = arith.constant true
          %broadcast_in_dim3A_171 = vector.broadcast %broadcast_in_dim3A_170 : i1 to vector<16xi1>
          %masked_cumsum3A_172 = tpu.scan <sum>, %gather3A_166 masked %broadcast_in_dim3A_171 : vector<16xi32>, vector<16xi1> -> vector<16xi32>
          %add3A_173 = arith.addi %add3A_157, %masked_cumsum3A_172 : vector<16xi32>
          %sub3A_174 = arith.subi %add3A_173, %gather3A_166 : vector<16xi32>
          %lt3A_175 = arith.constant 64 : i32
          %lt3A_176 = vector.broadcast %lt3A_175 : i32 to vector<16xi32>
          %lt3A_177 = arith.cmpi slt, %sub3A_174, %lt3A_176 : vector<16xi32>
          %and3A_178 = arith.andi %eq3A_169, %lt3A_177 : vector<16xi1>
          tpu.vector_store_idx %arg5[%add3A_31, %sub3A_174], %add3A_165 masked %and3A_178 : memref<128x64xi32, #tpu.memory_space<vmem>>[vector<16xi32>, vector<16xi32>], vector<16xi32>, vector<16xi1>
          %all_reduce_population_count3A_179 = tpu.all_reduce %eq3A_169 {dim = 0 : i64, kind = #tpu.reduction_kind<sum>} : vector<16xi1> -> vector<16xi32>
          %add3A_180 = arith.addi %add3A_157, %all_reduce_population_count3A_179 : vector<16xi32>
          %mul3A_181 = arith.constant 8 : i32
          %mul3A_182 = arith.muli %while3A_69, %mul3A_181 : i32
          %add3A_183 = arith.constant 5 : i32
          %add3A_184 = arith.addi %mul3A_182, %add3A_183 : i32
          %mul3A_185 = arith.constant 16 : i32
          %mul3A_186 = arith.muli %add3A_184, %mul3A_185 : i32
          %add3A_187 = vector.broadcast %mul3A_186 : i32 to vector<16xi32>
          %add3A_188 = arith.addi %add3A_187, %iota3A : vector<16xi32>
          %gather3A_189 = tpu.vector_load_idx %arg4[%broadcast_in_dim3A_27, %add3A_188] : memref<16x4096xi32, #tpu.memory_space<vmem>>[vector<16xi32>, vector<16xi32>], vector<16xi32>,
          %eq3A_190 = arith.constant 1 : i32
          %eq3A_191 = vector.broadcast %eq3A_190 : i32 to vector<16xi32>
          %eq3A_192 = arith.cmpi eq, %gather3A_189, %eq3A_191 : vector<16xi32>
          %broadcast_in_dim3A_193 = arith.constant true
          %broadcast_in_dim3A_194 = vector.broadcast %broadcast_in_dim3A_193 : i1 to vector<16xi1>
          %masked_cumsum3A_195 = tpu.scan <sum>, %gather3A_189 masked %broadcast_in_dim3A_194 : vector<16xi32>, vector<16xi1> -> vector<16xi32>
          %add3A_196 = arith.addi %add3A_180, %masked_cumsum3A_195 : vector<16xi32>
          %sub3A_197 = arith.subi %add3A_196, %gather3A_189 : vector<16xi32>
          %lt3A_198 = arith.constant 64 : i32
          %lt3A_199 = vector.broadcast %lt3A_198 : i32 to vector<16xi32>
          %lt3A_200 = arith.cmpi slt, %sub3A_197, %lt3A_199 : vector<16xi32>
          %and3A_201 = arith.andi %eq3A_192, %lt3A_200 : vector<16xi1>
          tpu.vector_store_idx %arg5[%add3A_31, %sub3A_197], %add3A_188 masked %and3A_201 : memref<128x64xi32, #tpu.memory_space<vmem>>[vector<16xi32>, vector<16xi32>], vector<16xi32>, vector<16xi1>
          %all_reduce_population_count3A_202 = tpu.all_reduce %eq3A_192 {dim = 0 : i64, kind = #tpu.reduction_kind<sum>} : vector<16xi1> -> vector<16xi32>
          %add3A_203 = arith.addi %add3A_180, %all_reduce_population_count3A_202 : vector<16xi32>
          %mul3A_204 = arith.constant 8 : i32
          %mul3A_205 = arith.muli %while3A_69, %mul3A_204 : i32
          %add3A_206 = arith.constant 6 : i32
          %add3A_207 = arith.addi %mul3A_205, %add3A_206 : i32
          %mul3A_208 = arith.constant 16 : i32
          %mul3A_209 = arith.muli %add3A_207, %mul3A_208 : i32
          %add3A_210 = vector.broadcast %mul3A_209 : i32 to vector<16xi32>
          %add3A_211 = arith.addi %add3A_210, %iota3A : vector<16xi32>
          %gather3A_212 = tpu.vector_load_idx %arg4[%broadcast_in_dim3A_27, %add3A_211] : memref<16x4096xi32, #tpu.memory_space<vmem>>[vector<16xi32>, vector<16xi32>], vector<16xi32>,
          %eq3A_213 = arith.constant 1 : i32
          %eq3A_214 = vector.broadcast %eq3A_213 : i32 to vector<16xi32>
          %eq3A_215 = arith.cmpi eq, %gather3A_212, %eq3A_214 : vector<16xi32>
          %broadcast_in_dim3A_216 = arith.constant true
          %broadcast_in_dim3A_217 = vector.broadcast %broadcast_in_dim3A_216 : i1 to vector<16xi1>
          %masked_cumsum3A_218 = tpu.scan <sum>, %gather3A_212 masked %broadcast_in_dim3A_217 : vector<16xi32>, vector<16xi1> -> vector<16xi32>
          %add3A_219 = arith.addi %add3A_203, %masked_cumsum3A_218 : vector<16xi32>
          %sub3A_220 = arith.subi %add3A_219, %gather3A_212 : vector<16xi32>
          %lt3A_221 = arith.constant 64 : i32
          %lt3A_222 = vector.broadcast %lt3A_221 : i32 to vector<16xi32>
          %lt3A_223 = arith.cmpi slt, %sub3A_220, %lt3A_222 : vector<16xi32>
          %and3A_224 = arith.andi %eq3A_215, %lt3A_223 : vector<16xi1>
          tpu.vector_store_idx %arg5[%add3A_31, %sub3A_220], %add3A_211 masked %and3A_224 : memref<128x64xi32, #tpu.memory_space<vmem>>[vector<16xi32>, vector<16xi32>], vector<16xi32>, vector<16xi1>
          %all_reduce_population_count3A_225 = tpu.all_reduce %eq3A_215 {dim = 0 : i64, kind = #tpu.reduction_kind<sum>} : vector<16xi1> -> vector<16xi32>
          %add3A_226 = arith.addi %add3A_203, %all_reduce_population_count3A_225 : vector<16xi32>
          %mul3A_227 = arith.constant 8 : i32
          %mul3A_228 = arith.muli %while3A_69, %mul3A_227 : i32
          %add3A_229 = arith.constant 7 : i32
          %add3A_230 = arith.addi %mul3A_228, %add3A_229 : i32
          %mul3A_231 = arith.constant 16 : i32
          %mul3A_232 = arith.muli %add3A_230, %mul3A_231 : i32
          %add3A_233 = vector.broadcast %mul3A_232 : i32 to vector<16xi32>
          %add3A_234 = arith.addi %add3A_233, %iota3A : vector<16xi32>
          %gather3A_235 = tpu.vector_load_idx %arg4[%broadcast_in_dim3A_27, %add3A_234] : memref<16x4096xi32, #tpu.memory_space<vmem>>[vector<16xi32>, vector<16xi32>], vector<16xi32>,
          %eq3A_236 = arith.constant 1 : i32
          %eq3A_237 = vector.broadcast %eq3A_236 : i32 to vector<16xi32>
          %eq3A_238 = arith.cmpi eq, %gather3A_235, %eq3A_237 : vector<16xi32>
          %broadcast_in_dim3A_239 = arith.constant true
          %broadcast_in_dim3A_240 = vector.broadcast %broadcast_in_dim3A_239 : i1 to vector<16xi1>
          %masked_cumsum3A_241 = tpu.scan <sum>, %gather3A_235 masked %broadcast_in_dim3A_240 : vector<16xi32>, vector<16xi1> -> vector<16xi32>
          %add3A_242 = arith.addi %add3A_226, %masked_cumsum3A_241 : vector<16xi32>
          %sub3A_243 = arith.subi %add3A_242, %gather3A_235 : vector<16xi32>
          %lt3A_244 = arith.constant 64 : i32
          %lt3A_245 = vector.broadcast %lt3A_244 : i32 to vector<16xi32>
          %lt3A_246 = arith.cmpi slt, %sub3A_243, %lt3A_245 : vector<16xi32>
          %and3A_247 = arith.andi %eq3A_238, %lt3A_246 : vector<16xi1>
          tpu.vector_store_idx %arg5[%add3A_31, %sub3A_243], %add3A_234 masked %and3A_247 : memref<128x64xi32, #tpu.memory_space<vmem>>[vector<16xi32>, vector<16xi32>], vector<16xi32>, vector<16xi1>
          %all_reduce_population_count3A_248 = tpu.all_reduce %eq3A_238 {dim = 0 : i64, kind = #tpu.reduction_kind<sum>} : vector<16xi1> -> vector<16xi32>
          %add3A_249 = arith.addi %add3A_226, %all_reduce_population_count3A_248 : vector<16xi32>
          %add3A_250 = arith.constant 1 : i32
          %add3A_251 = arith.addi %while3A_69, %add3A_250 : i32
          scf.yield %add3A_251, %add3A_249 : i32, vector<16xi32>
        }
        %reduce_max3A = arith.constant true
        %reduce_max3A_35 = vector.broadcast %reduce_max3A : i1 to vector<16xi1>
        %reduce_max3A_36 = arith.constant -2147483648 : i32
        %reduce_max3A_37 = vector.broadcast %reduce_max3A_36 : i32 to vector<16xi32>
        %reduce_max3A_38 = arith.xori %while3A_34#1, %reduce_max3A_37 : vector<16xi32>
        %reduce_max3A_39 = tpu.scan <max>, %reduce_max3A_38 masked %reduce_max3A_35 : vector<16xi32>, vector<16xi1> -> vector<16xi32>
        %reduce_max3A_40 = arith.xori %reduce_max3A_39, %reduce_max3A_37 : vector<16xi32>
        %reduce_max3A_41 = vector.extract %reduce_max3A_40[15] : i32 from vector<16xi32>
        %gather3A = tpu.vector_load_idx %arg5[%add3A_31, %broadcast_in_dim3A_1] : memref<128x64xi32, #tpu.memory_space<vmem>>[vector<16xi32>, vector<16xi32>], vector<16xi32>,
        %add3A_42 = arith.constant 0 : i32
        %add3A_43 = vector.broadcast %add3A_42 : i32 to vector<16xi32>
        %add3A_44 = arith.addi %add3A_43, %iota3A : vector<16xi32>
        %gather3A_45 = tpu.vector_load_idx %arg5[%add3A_31, %add3A_44] : memref<128x64xi32, #tpu.memory_space<vmem>>[vector<16xi32>, vector<16xi32>], vector<16xi32>,
        %lt3A = vector.broadcast %reduce_max3A_41 : i32 to vector<16xi32>
        %lt3A_46 = arith.cmpi slt, %add3A_44, %lt3A : vector<16xi32>
        %select_n3A = arith.select %lt3A_46, %gather3A_45, %gather3A : vector<16xi1>, vector<16xi32>
        tpu.vector_store_idx %arg5[%add3A_31, %add3A_44], %select_n3A : memref<128x64xi32, #tpu.memory_space<vmem>>[vector<16xi32>, vector<16xi32>], vector<16xi32>,
        %add3A_47 = arith.constant 16 : i32
        %add3A_48 = vector.broadcast %add3A_47 : i32 to vector<16xi32>
        %add3A_49 = arith.addi %add3A_48, %iota3A : vector<16xi32>
        %gather3A_50 = tpu.vector_load_idx %arg5[%add3A_31, %add3A_49] : memref<128x64xi32, #tpu.memory_space<vmem>>[vector<16xi32>, vector<16xi32>], vector<16xi32>,
        %lt3A_51 = vector.broadcast %reduce_max3A_41 : i32 to vector<16xi32>
        %lt3A_52 = arith.cmpi slt, %add3A_49, %lt3A_51 : vector<16xi32>
        %select_n3A_53 = arith.select %lt3A_52, %gather3A_50, %gather3A : vector<16xi1>, vector<16xi32>
        tpu.vector_store_idx %arg5[%add3A_31, %add3A_49], %select_n3A_53 : memref<128x64xi32, #tpu.memory_space<vmem>>[vector<16xi32>, vector<16xi32>], vector<16xi32>,
        %add3A_54 = arith.constant 32 : i32
        %add3A_55 = vector.broadcast %add3A_54 : i32 to vector<16xi32>
        %add3A_56 = arith.addi %add3A_55, %iota3A : vector<16xi32>
        %gather3A_57 = tpu.vector_load_idx %arg5[%add3A_31, %add3A_56] : memref<128x64xi32, #tpu.memory_space<vmem>>[vector<16xi32>, vector<16xi32>], vector<16xi32>,
        %lt3A_58 = vector.broadcast %reduce_max3A_41 : i32 to vector<16xi32>
        %lt3A_59 = arith.cmpi slt, %add3A_56, %lt3A_58 : vector<16xi32>
        %select_n3A_60 = arith.select %lt3A_59, %gather3A_57, %gather3A : vector<16xi1>, vector<16xi32>
        tpu.vector_store_idx %arg5[%add3A_31, %add3A_56], %select_n3A_60 : memref<128x64xi32, #tpu.memory_space<vmem>>[vector<16xi32>, vector<16xi32>], vector<16xi32>,
        %add3A_61 = arith.constant 48 : i32
        %add3A_62 = vector.broadcast %add3A_61 : i32 to vector<16xi32>
        %add3A_63 = arith.addi %add3A_62, %iota3A : vector<16xi32>
        %gather3A_64 = tpu.vector_load_idx %arg5[%add3A_31, %add3A_63] : memref<128x64xi32, #tpu.memory_space<vmem>>[vector<16xi32>, vector<16xi32>], vector<16xi32>,
        %lt3A_65 = vector.broadcast %reduce_max3A_41 : i32 to vector<16xi32>
        %lt3A_66 = arith.cmpi slt, %add3A_63, %lt3A_65 : vector<16xi32>
        %select_n3A_67 = arith.select %lt3A_66, %gather3A_64, %gather3A : vector<16xi1>, vector<16xi32>
        tpu.vector_store_idx %arg5[%add3A_31, %add3A_63], %select_n3A_67 : memref<128x64xi32, #tpu.memory_space<vmem>>[vector<16xi32>, vector<16xi32>], vector<16xi32>,
        %scan3A_68 = arith.constant 0 : i32
        scf.yield %scan3A_68 : i32
      }
      %scan3A_23 = arith.constant 16 : i32
      %scan3A_24 = arith.constant 0 : i32
      scf.yield %scan3A_24 : i32
    }
    %scan3A_7 = arith.constant 8 : i32
    %mul3A_8 = arith.constant 128 : i32
    %mul3A_9 = arith.muli %add3A, %mul3A_8 : i32
    "tpu.region"() ({
      %run_scoped3A = tpu.sem_alloc : memref<!tpu.dma_semaphore, #tpu.memory_space<semaphore_mem>>
      %dma_start3A = arith.constant 0 : i32
      %dma_start3A_10 = tpu.memref_slice %arg3[%mul3A_9, %dma_start3A] : memref<4096x64xi32, #tpu.memory_space<hbm>> -> memref<128x64xi32, #tpu.memory_space<hbm>>
      %dma_start3A_11 = arith.constant 0 : i32
      %dma_start3A_12 = tpu.memref_slice %arg3[%mul3A_9, %dma_start3A_11] : memref<4096x64xi32, #tpu.memory_space<hbm>> -> memref<128x64xi32, #tpu.memory_space<hbm>>
      tpu.enqueue_dma source(%arg5 : memref<128x64xi32, #tpu.memory_space<vmem>>) target(%dma_start3A_12 : memref<128x64xi32, #tpu.memory_space<hbm>>) target_semaphore(%run_scoped3A : memref<!tpu.dma_semaphore, #tpu.memory_space<semaphore_mem>>)
      %dma_wait3A = arith.constant 0 : i32
      %dma_wait3A_13 = tpu.memref_slice %arg3[%mul3A_9, %dma_wait3A] : memref<4096x64xi32, #tpu.memory_space<hbm>> -> memref<128x64xi32, #tpu.memory_space<hbm>>
      %dma_wait3A_14 = arith.constant 0 : i32
      %dma_wait3A_15 = tpu.memref_slice %arg3[%mul3A_9, %dma_wait3A_14] : memref<4096x64xi32, #tpu.memory_space<hbm>> -> memref<128x64xi32, #tpu.memory_space<hbm>>
      tpu.wait_dma2 semaphore(%run_scoped3A : memref<!tpu.dma_semaphore, #tpu.memory_space<semaphore_mem>>) src(%arg5 : memref<128x64xi32, #tpu.memory_space<vmem>>) dst(%dma_wait3A_15 : memref<128x64xi32, #tpu.memory_space<hbm>>)
      tpu.yield
    }) : () -> ()
    return
  }
}

#map = affine_map<(d0, d1) -> (0, 0)>
#map1 = affine_map<(d0, d1) -> (0)>
module attributes {stable_mosaic.version = 14 : i64} {
  func.func @gat(%arg0: i32, %arg1: i32, %arg2: memref<98304x64xf32, #tpu.memory_space<hbm>>, %arg3: memref<786432xi32, #tpu.memory_space<hbm>>, %arg4: memref<786432x64xf32, #tpu.memory_space<hbm>>, %arg5: memref<24576xi32, #tpu.memory_space<vmem>>, %arg6: memref<1024x64xf32, #tpu.memory_space<vmem>>, %arg7: memref<!tpu.dma_semaphore, #tpu.memory_space<semaphore_mem>>) attributes {dimension_semantics = [#tpu.dimension_semantics<core_parallel>, #tpu.dimension_semantics<subcore_parallel>], iteration_bounds = array<i64: 2, 16>, scalar_prefetch = 0 : i64, scratch_operands = 3 : i64, tpu.core_type = #tpu.core_type<sc_vector_subcore>, window_params = [{transform_indices = #map}, {transform_indices = #map1}, {transform_indices = #map}]} {
    %mul3A = arith.constant 2 : i32
    %mul3A_0 = arith.muli %arg1, %mul3A : i32
    %add3A = arith.addi %mul3A_0, %arg0 : i32
    %mul3A_1 = arith.constant 24576 : i32
    %mul3A_2 = arith.muli %add3A, %mul3A_1 : i32
    "tpu.region"() ({
      %run_scoped3A = tpu.sem_alloc : memref<!tpu.dma_semaphore, #tpu.memory_space<semaphore_mem>>
      %dma_start3A = tpu.memref_slice %arg3[%mul3A_2] : memref<786432xi32, #tpu.memory_space<hbm>> -> memref<24576xi32, #tpu.memory_space<hbm>>
      %dma_start3A_9 = tpu.memref_slice %arg3[%mul3A_2] : memref<786432xi32, #tpu.memory_space<hbm>> -> memref<24576xi32, #tpu.memory_space<hbm>>
      tpu.enqueue_dma source(%dma_start3A_9 : memref<24576xi32, #tpu.memory_space<hbm>>) target(%arg5 : memref<24576xi32, #tpu.memory_space<vmem>>) target_semaphore(%run_scoped3A : memref<!tpu.dma_semaphore, #tpu.memory_space<semaphore_mem>>)
      %dma_wait3A = tpu.memref_slice %arg3[%mul3A_2] : memref<786432xi32, #tpu.memory_space<hbm>> -> memref<24576xi32, #tpu.memory_space<hbm>>
      %dma_wait3A_10 = tpu.memref_slice %arg3[%mul3A_2] : memref<786432xi32, #tpu.memory_space<hbm>> -> memref<24576xi32, #tpu.memory_space<hbm>>
      tpu.wait_dma2 semaphore(%run_scoped3A : memref<!tpu.dma_semaphore, #tpu.memory_space<semaphore_mem>>) src(%dma_wait3A_10 : memref<24576xi32, #tpu.memory_space<hbm>>) dst(%arg5 : memref<24576xi32, #tpu.memory_space<vmem>>)
      tpu.yield
    }) : () -> ()
    %scan3A = arith.constant 0 : i32
    %scan3A_3 = arith.constant 0 : i32
    %scan3A_4 = arith.constant 24 : i32
    %scan3A_5 = arith.addi %scan3A_3, %scan3A_4 : i32
    %scan3A_6 = arith.constant 1 : i32
    %scan3A_7 = scf.for %scan3A_9 = %scan3A_3 to %scan3A_5 step %scan3A_6 iter_args(%scan3A_10 = %scan3A) -> (i32)  : i32 {
      %mul3A_11 = arith.constant 1024 : i32
      %mul3A_12 = arith.muli %scan3A_9, %mul3A_11 : i32
      %add3A_13 = arith.constant 0 : i32
      %add3A_14 = arith.addi %mul3A_12, %add3A_13 : i32
      %dma_start3A = arith.constant 0 : i32
      %dma_start3A_15 = arith.constant 0 : i32
      %dma_start3A_16 = tpu.memref_slice %arg6[%dma_start3A, %dma_start3A_15] : memref<1024x64xf32, #tpu.memory_space<vmem>> -> memref<128x64xf32, #tpu.memory_space<vmem>>
      %dma_start3A_17 = tpu.memref_slice %arg5[%add3A_14] : memref<24576xi32, #tpu.memory_space<vmem>> -> memref<128xi32, #tpu.memory_space<vmem>>
      %dma_start3A_18 = arith.constant 0 : i32
      %dma_start3A_19 = arith.constant 0 : i32
      %dma_start3A_20 = tpu.memref_slice %arg2[%dma_start3A_18, %dma_start3A_19] : memref<98304x64xf32, #tpu.memory_space<hbm>> -> memref<98304x64xf32, #tpu.memory_space<hbm>>
      tpu.enqueue_indirect_dma source(%dma_start3A_20 : memref<98304x64xf32, #tpu.memory_space<hbm>>) target(%dma_start3A_16 : memref<128x64xf32, #tpu.memory_space<vmem>>) offsets(%dma_start3A_17 : memref<128xi32, #tpu.memory_space<vmem>>) semaphore(%arg7 : memref<!tpu.dma_semaphore, #tpu.memory_space<semaphore_mem>>)
      %mul3A_21 = arith.constant 1024 : i32
      %mul3A_22 = arith.muli %scan3A_9, %mul3A_21 : i32
      %add3A_23 = arith.constant 128 : i32
      %add3A_24 = arith.addi %mul3A_22, %add3A_23 : i32
      %dma_start3A_25 = arith.constant 128 : i32
      %dma_start3A_26 = arith.constant 0 : i32
      %dma_start3A_27 = tpu.memref_slice %arg6[%dma_start3A_25, %dma_start3A_26] : memref<1024x64xf32, #tpu.memory_space<vmem>> -> memref<128x64xf32, #tpu.memory_space<vmem>>
      %dma_start3A_28 = tpu.memref_slice %arg5[%add3A_24] : memref<24576xi32, #tpu.memory_space<vmem>> -> memref<128xi32, #tpu.memory_space<vmem>>
      %dma_start3A_29 = arith.constant 0 : i32
      %dma_start3A_30 = arith.constant 0 : i32
      %dma_start3A_31 = tpu.memref_slice %arg2[%dma_start3A_29, %dma_start3A_30] : memref<98304x64xf32, #tpu.memory_space<hbm>> -> memref<98304x64xf32, #tpu.memory_space<hbm>>
      tpu.enqueue_indirect_dma source(%dma_start3A_31 : memref<98304x64xf32, #tpu.memory_space<hbm>>) target(%dma_start3A_27 : memref<128x64xf32, #tpu.memory_space<vmem>>) offsets(%dma_start3A_28 : memref<128xi32, #tpu.memory_space<vmem>>) semaphore(%arg7 : memref<!tpu.dma_semaphore, #tpu.memory_space<semaphore_mem>>)
      %mul3A_32 = arith.constant 1024 : i32
      %mul3A_33 = arith.muli %scan3A_9, %mul3A_32 : i32
      %add3A_34 = arith.constant 256 : i32
      %add3A_35 = arith.addi %mul3A_33, %add3A_34 : i32
      %dma_start3A_36 = arith.constant 256 : i32
      %dma_start3A_37 = arith.constant 0 : i32
      %dma_start3A_38 = tpu.memref_slice %arg6[%dma_start3A_36, %dma_start3A_37] : memref<1024x64xf32, #tpu.memory_space<vmem>> -> memref<128x64xf32, #tpu.memory_space<vmem>>
      %dma_start3A_39 = tpu.memref_slice %arg5[%add3A_35] : memref<24576xi32, #tpu.memory_space<vmem>> -> memref<128xi32, #tpu.memory_space<vmem>>
      %dma_start3A_40 = arith.constant 0 : i32
      %dma_start3A_41 = arith.constant 0 : i32
      %dma_start3A_42 = tpu.memref_slice %arg2[%dma_start3A_40, %dma_start3A_41] : memref<98304x64xf32, #tpu.memory_space<hbm>> -> memref<98304x64xf32, #tpu.memory_space<hbm>>
      tpu.enqueue_indirect_dma source(%dma_start3A_42 : memref<98304x64xf32, #tpu.memory_space<hbm>>) target(%dma_start3A_38 : memref<128x64xf32, #tpu.memory_space<vmem>>) offsets(%dma_start3A_39 : memref<128xi32, #tpu.memory_space<vmem>>) semaphore(%arg7 : memref<!tpu.dma_semaphore, #tpu.memory_space<semaphore_mem>>)
      %mul3A_43 = arith.constant 1024 : i32
      %mul3A_44 = arith.muli %scan3A_9, %mul3A_43 : i32
      %add3A_45 = arith.constant 384 : i32
      %add3A_46 = arith.addi %mul3A_44, %add3A_45 : i32
      %dma_start3A_47 = arith.constant 384 : i32
      %dma_start3A_48 = arith.constant 0 : i32
      %dma_start3A_49 = tpu.memref_slice %arg6[%dma_start3A_47, %dma_start3A_48] : memref<1024x64xf32, #tpu.memory_space<vmem>> -> memref<128x64xf32, #tpu.memory_space<vmem>>
      %dma_start3A_50 = tpu.memref_slice %arg5[%add3A_46] : memref<24576xi32, #tpu.memory_space<vmem>> -> memref<128xi32, #tpu.memory_space<vmem>>
      %dma_start3A_51 = arith.constant 0 : i32
      %dma_start3A_52 = arith.constant 0 : i32
      %dma_start3A_53 = tpu.memref_slice %arg2[%dma_start3A_51, %dma_start3A_52] : memref<98304x64xf32, #tpu.memory_space<hbm>> -> memref<98304x64xf32, #tpu.memory_space<hbm>>
      tpu.enqueue_indirect_dma source(%dma_start3A_53 : memref<98304x64xf32, #tpu.memory_space<hbm>>) target(%dma_start3A_49 : memref<128x64xf32, #tpu.memory_space<vmem>>) offsets(%dma_start3A_50 : memref<128xi32, #tpu.memory_space<vmem>>) semaphore(%arg7 : memref<!tpu.dma_semaphore, #tpu.memory_space<semaphore_mem>>)
      %mul3A_54 = arith.constant 1024 : i32
      %mul3A_55 = arith.muli %scan3A_9, %mul3A_54 : i32
      %add3A_56 = arith.constant 512 : i32
      %add3A_57 = arith.addi %mul3A_55, %add3A_56 : i32
      %dma_start3A_58 = arith.constant 512 : i32
      %dma_start3A_59 = arith.constant 0 : i32
      %dma_start3A_60 = tpu.memref_slice %arg6[%dma_start3A_58, %dma_start3A_59] : memref<1024x64xf32, #tpu.memory_space<vmem>> -> memref<128x64xf32, #tpu.memory_space<vmem>>
      %dma_start3A_61 = tpu.memref_slice %arg5[%add3A_57] : memref<24576xi32, #tpu.memory_space<vmem>> -> memref<128xi32, #tpu.memory_space<vmem>>
      %dma_start3A_62 = arith.constant 0 : i32
      %dma_start3A_63 = arith.constant 0 : i32
      %dma_start3A_64 = tpu.memref_slice %arg2[%dma_start3A_62, %dma_start3A_63] : memref<98304x64xf32, #tpu.memory_space<hbm>> -> memref<98304x64xf32, #tpu.memory_space<hbm>>
      tpu.enqueue_indirect_dma source(%dma_start3A_64 : memref<98304x64xf32, #tpu.memory_space<hbm>>) target(%dma_start3A_60 : memref<128x64xf32, #tpu.memory_space<vmem>>) offsets(%dma_start3A_61 : memref<128xi32, #tpu.memory_space<vmem>>) semaphore(%arg7 : memref<!tpu.dma_semaphore, #tpu.memory_space<semaphore_mem>>)
      %mul3A_65 = arith.constant 1024 : i32
      %mul3A_66 = arith.muli %scan3A_9, %mul3A_65 : i32
      %add3A_67 = arith.constant 640 : i32
      %add3A_68 = arith.addi %mul3A_66, %add3A_67 : i32
      %dma_start3A_69 = arith.constant 640 : i32
      %dma_start3A_70 = arith.constant 0 : i32
      %dma_start3A_71 = tpu.memref_slice %arg6[%dma_start3A_69, %dma_start3A_70] : memref<1024x64xf32, #tpu.memory_space<vmem>> -> memref<128x64xf32, #tpu.memory_space<vmem>>
      %dma_start3A_72 = tpu.memref_slice %arg5[%add3A_68] : memref<24576xi32, #tpu.memory_space<vmem>> -> memref<128xi32, #tpu.memory_space<vmem>>
      %dma_start3A_73 = arith.constant 0 : i32
      %dma_start3A_74 = arith.constant 0 : i32
      %dma_start3A_75 = tpu.memref_slice %arg2[%dma_start3A_73, %dma_start3A_74] : memref<98304x64xf32, #tpu.memory_space<hbm>> -> memref<98304x64xf32, #tpu.memory_space<hbm>>
      tpu.enqueue_indirect_dma source(%dma_start3A_75 : memref<98304x64xf32, #tpu.memory_space<hbm>>) target(%dma_start3A_71 : memref<128x64xf32, #tpu.memory_space<vmem>>) offsets(%dma_start3A_72 : memref<128xi32, #tpu.memory_space<vmem>>) semaphore(%arg7 : memref<!tpu.dma_semaphore, #tpu.memory_space<semaphore_mem>>)
      %mul3A_76 = arith.constant 1024 : i32
      %mul3A_77 = arith.muli %scan3A_9, %mul3A_76 : i32
      %add3A_78 = arith.constant 768 : i32
      %add3A_79 = arith.addi %mul3A_77, %add3A_78 : i32
      %dma_start3A_80 = arith.constant 768 : i32
      %dma_start3A_81 = arith.constant 0 : i32
      %dma_start3A_82 = tpu.memref_slice %arg6[%dma_start3A_80, %dma_start3A_81] : memref<1024x64xf32, #tpu.memory_space<vmem>> -> memref<128x64xf32, #tpu.memory_space<vmem>>
      %dma_start3A_83 = tpu.memref_slice %arg5[%add3A_79] : memref<24576xi32, #tpu.memory_space<vmem>> -> memref<128xi32, #tpu.memory_space<vmem>>
      %dma_start3A_84 = arith.constant 0 : i32
      %dma_start3A_85 = arith.constant 0 : i32
      %dma_start3A_86 = tpu.memref_slice %arg2[%dma_start3A_84, %dma_start3A_85] : memref<98304x64xf32, #tpu.memory_space<hbm>> -> memref<98304x64xf32, #tpu.memory_space<hbm>>
      tpu.enqueue_indirect_dma source(%dma_start3A_86 : memref<98304x64xf32, #tpu.memory_space<hbm>>) target(%dma_start3A_82 : memref<128x64xf32, #tpu.memory_space<vmem>>) offsets(%dma_start3A_83 : memref<128xi32, #tpu.memory_space<vmem>>) semaphore(%arg7 : memref<!tpu.dma_semaphore, #tpu.memory_space<semaphore_mem>>)
      %mul3A_87 = arith.constant 1024 : i32
      %mul3A_88 = arith.muli %scan3A_9, %mul3A_87 : i32
      %add3A_89 = arith.constant 896 : i32
      %add3A_90 = arith.addi %mul3A_88, %add3A_89 : i32
      %dma_start3A_91 = arith.constant 896 : i32
      %dma_start3A_92 = arith.constant 0 : i32
      %dma_start3A_93 = tpu.memref_slice %arg6[%dma_start3A_91, %dma_start3A_92] : memref<1024x64xf32, #tpu.memory_space<vmem>> -> memref<128x64xf32, #tpu.memory_space<vmem>>
      %dma_start3A_94 = tpu.memref_slice %arg5[%add3A_90] : memref<24576xi32, #tpu.memory_space<vmem>> -> memref<128xi32, #tpu.memory_space<vmem>>
      %dma_start3A_95 = arith.constant 0 : i32
      %dma_start3A_96 = arith.constant 0 : i32
      %dma_start3A_97 = tpu.memref_slice %arg2[%dma_start3A_95, %dma_start3A_96] : memref<98304x64xf32, #tpu.memory_space<hbm>> -> memref<98304x64xf32, #tpu.memory_space<hbm>>
      tpu.enqueue_indirect_dma source(%dma_start3A_97 : memref<98304x64xf32, #tpu.memory_space<hbm>>) target(%dma_start3A_93 : memref<128x64xf32, #tpu.memory_space<vmem>>) offsets(%dma_start3A_94 : memref<128xi32, #tpu.memory_space<vmem>>) semaphore(%arg7 : memref<!tpu.dma_semaphore, #tpu.memory_space<semaphore_mem>>)
      %dma_wait3A = arith.constant 0 : i32
      %dma_wait3A_98 = arith.constant 0 : i32
      %dma_wait3A_99 = tpu.memref_slice %arg6[%dma_wait3A, %dma_wait3A_98] : memref<1024x64xf32, #tpu.memory_space<vmem>> -> memref<128x64xf32, #tpu.memory_space<vmem>>
      %dma_wait3A_100 = tpu.memref_slice %arg5[%add3A_14] : memref<24576xi32, #tpu.memory_space<vmem>> -> memref<128xi32, #tpu.memory_space<vmem>>
      %dma_wait3A_101 = arith.constant 0 : i32
      %dma_wait3A_102 = arith.constant 0 : i32
      %dma_wait3A_103 = tpu.memref_slice %arg2[%dma_wait3A_101, %dma_wait3A_102] : memref<98304x64xf32, #tpu.memory_space<hbm>> -> memref<98304x64xf32, #tpu.memory_space<hbm>>
      tpu.wait_indirect_dma semaphore(%arg7 : memref<!tpu.dma_semaphore, #tpu.memory_space<semaphore_mem>>) src(%dma_wait3A_103 : memref<98304x64xf32, #tpu.memory_space<hbm>>) dst(%dma_wait3A_99 : memref<128x64xf32, #tpu.memory_space<vmem>>)
      %dma_wait3A_104 = arith.constant 128 : i32
      %dma_wait3A_105 = arith.constant 0 : i32
      %dma_wait3A_106 = tpu.memref_slice %arg6[%dma_wait3A_104, %dma_wait3A_105] : memref<1024x64xf32, #tpu.memory_space<vmem>> -> memref<128x64xf32, #tpu.memory_space<vmem>>
      %dma_wait3A_107 = tpu.memref_slice %arg5[%add3A_24] : memref<24576xi32, #tpu.memory_space<vmem>> -> memref<128xi32, #tpu.memory_space<vmem>>
      %dma_wait3A_108 = arith.constant 0 : i32
      %dma_wait3A_109 = arith.constant 0 : i32
      %dma_wait3A_110 = tpu.memref_slice %arg2[%dma_wait3A_108, %dma_wait3A_109] : memref<98304x64xf32, #tpu.memory_space<hbm>> -> memref<98304x64xf32, #tpu.memory_space<hbm>>
      tpu.wait_indirect_dma semaphore(%arg7 : memref<!tpu.dma_semaphore, #tpu.memory_space<semaphore_mem>>) src(%dma_wait3A_110 : memref<98304x64xf32, #tpu.memory_space<hbm>>) dst(%dma_wait3A_106 : memref<128x64xf32, #tpu.memory_space<vmem>>)
      %dma_wait3A_111 = arith.constant 256 : i32
      %dma_wait3A_112 = arith.constant 0 : i32
      %dma_wait3A_113 = tpu.memref_slice %arg6[%dma_wait3A_111, %dma_wait3A_112] : memref<1024x64xf32, #tpu.memory_space<vmem>> -> memref<128x64xf32, #tpu.memory_space<vmem>>
      %dma_wait3A_114 = tpu.memref_slice %arg5[%add3A_35] : memref<24576xi32, #tpu.memory_space<vmem>> -> memref<128xi32, #tpu.memory_space<vmem>>
      %dma_wait3A_115 = arith.constant 0 : i32
      %dma_wait3A_116 = arith.constant 0 : i32
      %dma_wait3A_117 = tpu.memref_slice %arg2[%dma_wait3A_115, %dma_wait3A_116] : memref<98304x64xf32, #tpu.memory_space<hbm>> -> memref<98304x64xf32, #tpu.memory_space<hbm>>
      tpu.wait_indirect_dma semaphore(%arg7 : memref<!tpu.dma_semaphore, #tpu.memory_space<semaphore_mem>>) src(%dma_wait3A_117 : memref<98304x64xf32, #tpu.memory_space<hbm>>) dst(%dma_wait3A_113 : memref<128x64xf32, #tpu.memory_space<vmem>>)
      %dma_wait3A_118 = arith.constant 384 : i32
      %dma_wait3A_119 = arith.constant 0 : i32
      %dma_wait3A_120 = tpu.memref_slice %arg6[%dma_wait3A_118, %dma_wait3A_119] : memref<1024x64xf32, #tpu.memory_space<vmem>> -> memref<128x64xf32, #tpu.memory_space<vmem>>
      %dma_wait3A_121 = tpu.memref_slice %arg5[%add3A_46] : memref<24576xi32, #tpu.memory_space<vmem>> -> memref<128xi32, #tpu.memory_space<vmem>>
      %dma_wait3A_122 = arith.constant 0 : i32
      %dma_wait3A_123 = arith.constant 0 : i32
      %dma_wait3A_124 = tpu.memref_slice %arg2[%dma_wait3A_122, %dma_wait3A_123] : memref<98304x64xf32, #tpu.memory_space<hbm>> -> memref<98304x64xf32, #tpu.memory_space<hbm>>
      tpu.wait_indirect_dma semaphore(%arg7 : memref<!tpu.dma_semaphore, #tpu.memory_space<semaphore_mem>>) src(%dma_wait3A_124 : memref<98304x64xf32, #tpu.memory_space<hbm>>) dst(%dma_wait3A_120 : memref<128x64xf32, #tpu.memory_space<vmem>>)
      %dma_wait3A_125 = arith.constant 512 : i32
      %dma_wait3A_126 = arith.constant 0 : i32
      %dma_wait3A_127 = tpu.memref_slice %arg6[%dma_wait3A_125, %dma_wait3A_126] : memref<1024x64xf32, #tpu.memory_space<vmem>> -> memref<128x64xf32, #tpu.memory_space<vmem>>
      %dma_wait3A_128 = tpu.memref_slice %arg5[%add3A_57] : memref<24576xi32, #tpu.memory_space<vmem>> -> memref<128xi32, #tpu.memory_space<vmem>>
      %dma_wait3A_129 = arith.constant 0 : i32
      %dma_wait3A_130 = arith.constant 0 : i32
      %dma_wait3A_131 = tpu.memref_slice %arg2[%dma_wait3A_129, %dma_wait3A_130] : memref<98304x64xf32, #tpu.memory_space<hbm>> -> memref<98304x64xf32, #tpu.memory_space<hbm>>
      tpu.wait_indirect_dma semaphore(%arg7 : memref<!tpu.dma_semaphore, #tpu.memory_space<semaphore_mem>>) src(%dma_wait3A_131 : memref<98304x64xf32, #tpu.memory_space<hbm>>) dst(%dma_wait3A_127 : memref<128x64xf32, #tpu.memory_space<vmem>>)
      %dma_wait3A_132 = arith.constant 640 : i32
      %dma_wait3A_133 = arith.constant 0 : i32
      %dma_wait3A_134 = tpu.memref_slice %arg6[%dma_wait3A_132, %dma_wait3A_133] : memref<1024x64xf32, #tpu.memory_space<vmem>> -> memref<128x64xf32, #tpu.memory_space<vmem>>
      %dma_wait3A_135 = tpu.memref_slice %arg5[%add3A_68] : memref<24576xi32, #tpu.memory_space<vmem>> -> memref<128xi32, #tpu.memory_space<vmem>>
      %dma_wait3A_136 = arith.constant 0 : i32
      %dma_wait3A_137 = arith.constant 0 : i32
      %dma_wait3A_138 = tpu.memref_slice %arg2[%dma_wait3A_136, %dma_wait3A_137] : memref<98304x64xf32, #tpu.memory_space<hbm>> -> memref<98304x64xf32, #tpu.memory_space<hbm>>
      tpu.wait_indirect_dma semaphore(%arg7 : memref<!tpu.dma_semaphore, #tpu.memory_space<semaphore_mem>>) src(%dma_wait3A_138 : memref<98304x64xf32, #tpu.memory_space<hbm>>) dst(%dma_wait3A_134 : memref<128x64xf32, #tpu.memory_space<vmem>>)
      %dma_wait3A_139 = arith.constant 768 : i32
      %dma_wait3A_140 = arith.constant 0 : i32
      %dma_wait3A_141 = tpu.memref_slice %arg6[%dma_wait3A_139, %dma_wait3A_140] : memref<1024x64xf32, #tpu.memory_space<vmem>> -> memref<128x64xf32, #tpu.memory_space<vmem>>
      %dma_wait3A_142 = tpu.memref_slice %arg5[%add3A_79] : memref<24576xi32, #tpu.memory_space<vmem>> -> memref<128xi32, #tpu.memory_space<vmem>>
      %dma_wait3A_143 = arith.constant 0 : i32
      %dma_wait3A_144 = arith.constant 0 : i32
      %dma_wait3A_145 = tpu.memref_slice %arg2[%dma_wait3A_143, %dma_wait3A_144] : memref<98304x64xf32, #tpu.memory_space<hbm>> -> memref<98304x64xf32, #tpu.memory_space<hbm>>
      tpu.wait_indirect_dma semaphore(%arg7 : memref<!tpu.dma_semaphore, #tpu.memory_space<semaphore_mem>>) src(%dma_wait3A_145 : memref<98304x64xf32, #tpu.memory_space<hbm>>) dst(%dma_wait3A_141 : memref<128x64xf32, #tpu.memory_space<vmem>>)
      %dma_wait3A_146 = arith.constant 896 : i32
      %dma_wait3A_147 = arith.constant 0 : i32
      %dma_wait3A_148 = tpu.memref_slice %arg6[%dma_wait3A_146, %dma_wait3A_147] : memref<1024x64xf32, #tpu.memory_space<vmem>> -> memref<128x64xf32, #tpu.memory_space<vmem>>
      %dma_wait3A_149 = tpu.memref_slice %arg5[%add3A_90] : memref<24576xi32, #tpu.memory_space<vmem>> -> memref<128xi32, #tpu.memory_space<vmem>>
      %dma_wait3A_150 = arith.constant 0 : i32
      %dma_wait3A_151 = arith.constant 0 : i32
      %dma_wait3A_152 = tpu.memref_slice %arg2[%dma_wait3A_150, %dma_wait3A_151] : memref<98304x64xf32, #tpu.memory_space<hbm>> -> memref<98304x64xf32, #tpu.memory_space<hbm>>
      tpu.wait_indirect_dma semaphore(%arg7 : memref<!tpu.dma_semaphore, #tpu.memory_space<semaphore_mem>>) src(%dma_wait3A_152 : memref<98304x64xf32, #tpu.memory_space<hbm>>) dst(%dma_wait3A_148 : memref<128x64xf32, #tpu.memory_space<vmem>>)
      %mul3A_153 = arith.constant 1024 : i32
      %mul3A_154 = arith.muli %scan3A_9, %mul3A_153 : i32
      %add3A_155 = arith.addi %mul3A_2, %mul3A_154 : i32
      "tpu.region"() ({
        %run_scoped3A = tpu.sem_alloc : memref<!tpu.dma_semaphore, #tpu.memory_space<semaphore_mem>>
        %dma_start3A_157 = arith.constant 0 : i32
        %dma_start3A_158 = tpu.memref_slice %arg4[%add3A_155, %dma_start3A_157] : memref<786432x64xf32, #tpu.memory_space<hbm>> -> memref<1024x64xf32, #tpu.memory_space<hbm>>
        %dma_start3A_159 = arith.constant 0 : i32
        %dma_start3A_160 = tpu.memref_slice %arg4[%add3A_155, %dma_start3A_159] : memref<786432x64xf32, #tpu.memory_space<hbm>> -> memref<1024x64xf32, #tpu.memory_space<hbm>>
        tpu.enqueue_dma source(%arg6 : memref<1024x64xf32, #tpu.memory_space<vmem>>) target(%dma_start3A_160 : memref<1024x64xf32, #tpu.memory_space<hbm>>) target_semaphore(%run_scoped3A : memref<!tpu.dma_semaphore, #tpu.memory_space<semaphore_mem>>)
        %dma_wait3A_161 = arith.constant 0 : i32
        %dma_wait3A_162 = tpu.memref_slice %arg4[%add3A_155, %dma_wait3A_161] : memref<786432x64xf32, #tpu.memory_space<hbm>> -> memref<1024x64xf32, #tpu.memory_space<hbm>>
        %dma_wait3A_163 = arith.constant 0 : i32
        %dma_wait3A_164 = tpu.memref_slice %arg4[%add3A_155, %dma_wait3A_163] : memref<786432x64xf32, #tpu.memory_space<hbm>> -> memref<1024x64xf32, #tpu.memory_space<hbm>>
        tpu.wait_dma2 semaphore(%run_scoped3A : memref<!tpu.dma_semaphore, #tpu.memory_space<semaphore_mem>>) src(%arg6 : memref<1024x64xf32, #tpu.memory_space<vmem>>) dst(%dma_wait3A_164 : memref<1024x64xf32, #tpu.memory_space<hbm>>)
        tpu.yield
      }) : () -> ()
      %scan3A_156 = arith.constant 0 : i32
      scf.yield %scan3A_156 : i32
    }
    %scan3A_8 = arith.constant 24 : i32
    return
  }
}

module attributes {stable_mosaic.version = 14 : i64} {
  func.func @_fps_body(%arg0: memref<8x3x4096xf32, #tpu.memory_space<vmem>>, %arg1: memref<8x512xi32, #tpu.memory_space<vmem>>, %arg2: memref<8x3x512xf32, #tpu.memory_space<vmem>>) attributes {dimension_semantics = [], scalar_prefetch = 0 : i64, scratch_operands = 0 : i64, tpu.core_type = #tpu.core_type<tc>} {
    %get3A = arith.constant 0 : index
    %get3A_0 = arith.constant 0 : index
    %get3A_1 = arith.constant 0 : index
    %get3A_2 = vector.load %arg0[%get3A, %get3A_0, %get3A_1] : memref<8x3x4096xf32, #tpu.memory_space<vmem>>, vector<8x3x4096xf32>
    %slice3A = vector.extract_strided_slice %get3A_2 {offsets = [0, 0, 0], sizes = [8, 1, 4096], strides = [1, 1, 1]} : vector<8x3x4096xf32> to vector<8x1x4096xf32>
    %squeeze3A = vector.shape_cast %slice3A : vector<8x1x4096xf32> to vector<8x4096xf32>
    %slice3A_3 = vector.extract_strided_slice %get3A_2 {offsets = [0, 1, 0], sizes = [8, 1, 4096], strides = [1, 1, 1]} : vector<8x3x4096xf32> to vector<8x1x4096xf32>
    %squeeze3A_4 = vector.shape_cast %slice3A_3 : vector<8x1x4096xf32> to vector<8x4096xf32>
    %slice3A_5 = vector.extract_strided_slice %get3A_2 {offsets = [0, 2, 0], sizes = [8, 1, 4096], strides = [1, 1, 1]} : vector<8x3x4096xf32> to vector<8x1x4096xf32>
    %squeeze3A_6 = vector.shape_cast %slice3A_5 : vector<8x1x4096xf32> to vector<8x4096xf32>
    %reduce_sum3A = arith.constant dense<0.000000e+00> : vector<8xf32>
    %reduce_sum3A_7 = vector.multi_reduction <add>, %squeeze3A, %reduce_sum3A [1] : vector<8x4096xf32> to vector<8xf32>
    %broadcast_in_dim3A = vector.shape_cast %reduce_sum3A_7 : vector<8xf32> to vector<8x1xf32>
    %div3A = arith.constant 4.096000e+03 : f32
    %div3A_8 = vector.broadcast %div3A : f32 to vector<8x1xf32>
    %div3A_9 = arith.divf %broadcast_in_dim3A, %div3A_8 : vector<8x1xf32>
    %reduce_sum3A_10 = arith.constant dense<0.000000e+00> : vector<8xf32>
    %reduce_sum3A_11 = vector.multi_reduction <add>, %squeeze3A_4, %reduce_sum3A_10 [1] : vector<8x4096xf32> to vector<8xf32>
    %broadcast_in_dim3A_12 = vector.shape_cast %reduce_sum3A_11 : vector<8xf32> to vector<8x1xf32>
    %div3A_13 = arith.constant 4.096000e+03 : f32
    %div3A_14 = vector.broadcast %div3A_13 : f32 to vector<8x1xf32>
    %div3A_15 = arith.divf %broadcast_in_dim3A_12, %div3A_14 : vector<8x1xf32>
    %reduce_sum3A_16 = arith.constant dense<0.000000e+00> : vector<8xf32>
    %reduce_sum3A_17 = vector.multi_reduction <add>, %squeeze3A_6, %reduce_sum3A_16 [1] : vector<8x4096xf32> to vector<8xf32>
    %broadcast_in_dim3A_18 = vector.shape_cast %reduce_sum3A_17 : vector<8xf32> to vector<8x1xf32>
    %div3A_19 = arith.constant 4.096000e+03 : f32
    %div3A_20 = vector.broadcast %div3A_19 : f32 to vector<8x1xf32>
    %div3A_21 = arith.divf %broadcast_in_dim3A_18, %div3A_20 : vector<8x1xf32>
    %sub3A = vector.broadcast %div3A_9 : vector<8x1xf32> to vector<8x4096xf32>
    %sub3A_22 = arith.subf %squeeze3A, %sub3A : vector<8x4096xf32>
    %integer_pow3A = arith.mulf %sub3A_22, %sub3A_22 : vector<8x4096xf32>
    %sub3A_23 = vector.broadcast %div3A_15 : vector<8x1xf32> to vector<8x4096xf32>
    %sub3A_24 = arith.subf %squeeze3A_4, %sub3A_23 : vector<8x4096xf32>
    %integer_pow3A_25 = arith.mulf %sub3A_24, %sub3A_24 : vector<8x4096xf32>
    %add3A = arith.addf %integer_pow3A, %integer_pow3A_25 : vector<8x4096xf32>
    %sub3A_26 = vector.broadcast %div3A_21 : vector<8x1xf32> to vector<8x4096xf32>
    %sub3A_27 = arith.subf %squeeze3A_6, %sub3A_26 : vector<8x4096xf32>
    %integer_pow3A_28 = arith.mulf %sub3A_27, %sub3A_27 : vector<8x4096xf32>
    %add3A_29 = arith.addf %add3A, %integer_pow3A_28 : vector<8x4096xf32>
    %broadcast_in_dim3A_30 = arith.constant 1.000000e+10 : f32
    %broadcast_in_dim3A_31 = vector.broadcast %broadcast_in_dim3A_30 : f32 to vector<8x4096xf32>
    %min3A = arith.minimumf %broadcast_in_dim3A_31, %add3A_29 : vector<8x4096xf32>
    %iota3A = tpu.iota {dimensions = array<i32: 1>} : vector<8x4096xi32>
    %iota3A_32 = tpu.iota {dimensions = array<i32: 1>} : vector<8x512xi32>
    %reduce_max3A = arith.constant dense<0xFF800000> : vector<8xf32>
    %reduce_max3A_33 = vector.multi_reduction <maximumf>, %min3A, %reduce_max3A [1] : vector<8x4096xf32> to vector<8xf32>
    %broadcast_in_dim3A_34 = vector.shape_cast %reduce_max3A_33 : vector<8xf32> to vector<8x1xf32>
    %eq3A = vector.broadcast %broadcast_in_dim3A_34 : vector<8x1xf32> to vector<8x4096xf32>
    %eq3A_35 = arith.cmpf oeq, %min3A, %eq3A : vector<8x4096xf32>
    %jit3A = arith.constant 4096 : i32
    %broadcast_in_dim3A_36 = vector.broadcast %jit3A : i32 to vector<8x4096xi32>
    %select_n3A = arith.select %eq3A_35, %iota3A, %broadcast_in_dim3A_36 : vector<8x4096xi1>, vector<8x4096xi32>
    %reduce_min3A = arith.constant dense<2147483647> : vector<8xi32>
    %reduce_min3A_37 = vector.multi_reduction <minsi>, %select_n3A, %reduce_min3A [1] : vector<8x4096xi32> to vector<8xi32>
    %broadcast_in_dim3A_38 = vector.shape_cast %reduce_min3A_37 : vector<8xi32> to vector<8x1xi32>
    %broadcast_in_dim3A_39 = arith.constant 0 : i32
    %broadcast_in_dim3A_40 = vector.broadcast %broadcast_in_dim3A_39 : i32 to vector<8x512xi32>
    %broadcast_in_dim3A_41 = arith.constant 0.000000e+00 : f32
    %broadcast_in_dim3A_42 = vector.broadcast %broadcast_in_dim3A_41 : f32 to vector<8x512xf32>
    %broadcast_in_dim3A_43 = arith.constant 0.000000e+00 : f32
    %broadcast_in_dim3A_44 = vector.broadcast %broadcast_in_dim3A_43 : f32 to vector<8x512xf32>
    %broadcast_in_dim3A_45 = arith.constant 0.000000e+00 : f32
    %broadcast_in_dim3A_46 = vector.broadcast %broadcast_in_dim3A_45 : f32 to vector<8x512xf32>
    %iota3A_47 = tpu.iota {dimensions = array<i32: 2>} : vector<8x3x4096xi32>
    %scan3A = arith.constant 0 : i32
    %scan3A_48 = arith.constant 512 : i32
    %scan3A_49 = arith.addi %scan3A, %scan3A_48 : i32
    %scan3A_50 = arith.constant 1 : i32
    %scan3A_51:6 = scf.for %scan3A_73 = %scan3A to %scan3A_49 step %scan3A_50 iter_args(%scan3A_74 = %min3A, %scan3A_75 = %broadcast_in_dim3A_38, %scan3A_76 = %broadcast_in_dim3A_40, %scan3A_77 = %broadcast_in_dim3A_42, %scan3A_78 = %broadcast_in_dim3A_44, %scan3A_79 = %broadcast_in_dim3A_46) -> (vector<8x4096xf32>, vector<8x1xi32>, vector<8x512xi32>, vector<8x512xf32>, vector<8x512xf32>, vector<8x512xf32>)  : i32 {
      %broadcast_in_dim3A_80 = vector.shape_cast %scan3A_75 : vector<8x1xi32> to vector<8x1x1xi32>
      %eq3A_81 = vector.broadcast %broadcast_in_dim3A_80 : vector<8x1x1xi32> to vector<8x3x4096xi32>
      %eq3A_82 = arith.cmpi eq, %iota3A_47, %eq3A_81 : vector<8x3x4096xi32>
      %jit3A_83 = arith.constant 0.000000e+00 : f32
      %broadcast_in_dim3A_84 = vector.broadcast %jit3A_83 : f32 to vector<8x3x4096xf32>
      %select_n3A_85 = arith.select %eq3A_82, %get3A_2, %broadcast_in_dim3A_84 : vector<8x3x4096xi1>, vector<8x3x4096xf32>
      %reduce_sum3A_86 = arith.constant dense<0.000000e+00> : vector<8x3xf32>
      %reduce_sum3A_87 = vector.multi_reduction <add>, %select_n3A_85, %reduce_sum3A_86 [2] : vector<8x3x4096xf32> to vector<8x3xf32>
      %broadcast_in_dim3A_88 = vector.shape_cast %reduce_sum3A_87 : vector<8x3xf32> to vector<8x3x1xf32>
      %slice3A_89 = vector.extract_strided_slice %broadcast_in_dim3A_88 {offsets = [0, 0, 0], sizes = [8, 1, 1], strides = [1, 1, 1]} : vector<8x3x1xf32> to vector<8x1x1xf32>
      %squeeze3A_90 = vector.shape_cast %slice3A_89 : vector<8x1x1xf32> to vector<8x1xf32>
      %slice3A_91 = vector.extract_strided_slice %broadcast_in_dim3A_88 {offsets = [0, 1, 0], sizes = [8, 1, 1], strides = [1, 1, 1]} : vector<8x3x1xf32> to vector<8x1x1xf32>
      %squeeze3A_92 = vector.shape_cast %slice3A_91 : vector<8x1x1xf32> to vector<8x1xf32>
      %slice3A_93 = vector.extract_strided_slice %broadcast_in_dim3A_88 {offsets = [0, 2, 0], sizes = [8, 1, 1], strides = [1, 1, 1]} : vector<8x3x1xf32> to vector<8x1x1xf32>
      %squeeze3A_94 = vector.shape_cast %slice3A_93 : vector<8x1x1xf32> to vector<8x1xf32>
      %eq3A_95 = vector.broadcast %scan3A_73 : i32 to vector<8x512xi32>
      %eq3A_96 = arith.cmpi eq, %iota3A_32, %eq3A_95 : vector<8x512xi32>
      %broadcast_in_dim3A_97 = vector.shape_cast %scan3A_75 : vector<8x1xi32> to vector<8x1xi32>
      %broadcast_in_dim3A_98 = vector.broadcast %broadcast_in_dim3A_97 : vector<8x1xi32> to vector<8x512xi32>
      %select_n3A_99 = arith.select %eq3A_96, %broadcast_in_dim3A_98, %scan3A_76 : vector<8x512xi1>, vector<8x512xi32>
      %broadcast_in_dim3A_100 = vector.shape_cast %squeeze3A_90 : vector<8x1xf32> to vector<8x1xf32>
      %broadcast_in_dim3A_101 = vector.broadcast %broadcast_in_dim3A_100 : vector<8x1xf32> to vector<8x512xf32>
      %select_n3A_102 = arith.select %eq3A_96, %broadcast_in_dim3A_101, %scan3A_77 : vector<8x512xi1>, vector<8x512xf32>
      %broadcast_in_dim3A_103 = vector.shape_cast %squeeze3A_92 : vector<8x1xf32> to vector<8x1xf32>
      %broadcast_in_dim3A_104 = vector.broadcast %broadcast_in_dim3A_103 : vector<8x1xf32> to vector<8x512xf32>
      %select_n3A_105 = arith.select %eq3A_96, %broadcast_in_dim3A_104, %scan3A_78 : vector<8x512xi1>, vector<8x512xf32>
      %broadcast_in_dim3A_106 = vector.shape_cast %squeeze3A_94 : vector<8x1xf32> to vector<8x1xf32>
      %broadcast_in_dim3A_107 = vector.broadcast %broadcast_in_dim3A_106 : vector<8x1xf32> to vector<8x512xf32>
      %select_n3A_108 = arith.select %eq3A_96, %broadcast_in_dim3A_107, %scan3A_79 : vector<8x512xi1>, vector<8x512xf32>
      %sub3A_109 = vector.broadcast %squeeze3A_90 : vector<8x1xf32> to vector<8x4096xf32>
      %sub3A_110 = arith.subf %squeeze3A, %sub3A_109 : vector<8x4096xf32>
      %integer_pow3A_111 = arith.mulf %sub3A_110, %sub3A_110 : vector<8x4096xf32>
      %sub3A_112 = vector.broadcast %squeeze3A_92 : vector<8x1xf32> to vector<8x4096xf32>
      %sub3A_113 = arith.subf %squeeze3A_4, %sub3A_112 : vector<8x4096xf32>
      %integer_pow3A_114 = arith.mulf %sub3A_113, %sub3A_113 : vector<8x4096xf32>
      %add3A_115 = arith.addf %integer_pow3A_111, %integer_pow3A_114 : vector<8x4096xf32>
      %sub3A_116 = vector.broadcast %squeeze3A_94 : vector<8x1xf32> to vector<8x4096xf32>
      %sub3A_117 = arith.subf %squeeze3A_6, %sub3A_116 : vector<8x4096xf32>
      %integer_pow3A_118 = arith.mulf %sub3A_117, %sub3A_117 : vector<8x4096xf32>
      %add3A_119 = arith.addf %add3A_115, %integer_pow3A_118 : vector<8x4096xf32>
      %min3A_120 = arith.minimumf %scan3A_74, %add3A_119 : vector<8x4096xf32>
      %reduce_max3A_121 = arith.constant dense<0xFF800000> : vector<8xf32>
      %reduce_max3A_122 = vector.multi_reduction <maximumf>, %min3A_120, %reduce_max3A_121 [1] : vector<8x4096xf32> to vector<8xf32>
      %broadcast_in_dim3A_123 = vector.shape_cast %reduce_max3A_122 : vector<8xf32> to vector<8x1xf32>
      %eq3A_124 = vector.broadcast %broadcast_in_dim3A_123 : vector<8x1xf32> to vector<8x4096xf32>
      %eq3A_125 = arith.cmpf oeq, %min3A_120, %eq3A_124 : vector<8x4096xf32>
      %jit3A_126 = arith.constant 4096 : i32
      %broadcast_in_dim3A_127 = vector.broadcast %jit3A_126 : i32 to vector<8x4096xi32>
      %select_n3A_128 = arith.select %eq3A_125, %iota3A, %broadcast_in_dim3A_127 : vector<8x4096xi1>, vector<8x4096xi32>
      %reduce_min3A_129 = arith.constant dense<2147483647> : vector<8xi32>
      %reduce_min3A_130 = vector.multi_reduction <minsi>, %select_n3A_128, %reduce_min3A_129 [1] : vector<8x4096xi32> to vector<8xi32>
      %broadcast_in_dim3A_131 = vector.shape_cast %reduce_min3A_130 : vector<8xi32> to vector<8x1xi32>
      scf.yield %min3A_120, %broadcast_in_dim3A_131, %select_n3A_99, %select_n3A_102, %select_n3A_105, %select_n3A_108 : vector<8x4096xf32>, vector<8x1xi32>, vector<8x512xi32>, vector<8x512xf32>, vector<8x512xf32>, vector<8x512xf32>
    }
    %scan3A_52 = arith.constant 512 : i32
    %swap3A = arith.constant 0 : index
    %swap3A_53 = arith.constant 0 : index
    %swap3A_54 = vector.load %arg1[%swap3A, %swap3A_53] : memref<8x512xi32, #tpu.memory_space<vmem>>, vector<8x512xi32>
    tpu.vector_store %arg1[%swap3A, %swap3A_53], %scan3A_51#2 {strides = array<i32>} : memref<8x512xi32, #tpu.memory_space<vmem>>, vector<8x512xi32>,
    %swap3A_55 = arith.constant 0 : index
    %swap3A_56 = arith.constant 0 : index
    %swap3A_57 = arith.constant 0 : index
    %swap3A_58 = vector.load %arg2[%swap3A_55, %swap3A_56, %swap3A_57] : memref<8x3x512xf32, #tpu.memory_space<vmem>>, vector<8x1x512xf32>
    %swap3A_59 = vector.shape_cast %swap3A_58 : vector<8x1x512xf32> to vector<8x512xf32>
    %swap3A_60 = vector.shape_cast %scan3A_51#3 : vector<8x512xf32> to vector<8x1x512xf32>
    tpu.vector_store %arg2[%swap3A_55, %swap3A_56, %swap3A_57], %swap3A_60 {strides = array<i32>} : memref<8x3x512xf32, #tpu.memory_space<vmem>>, vector<8x1x512xf32>,
    %swap3A_61 = arith.constant 0 : index
    %swap3A_62 = arith.constant 1 : index
    %swap3A_63 = arith.constant 0 : index
    %swap3A_64 = vector.load %arg2[%swap3A_61, %swap3A_62, %swap3A_63] : memref<8x3x512xf32, #tpu.memory_space<vmem>>, vector<8x1x512xf32>
    %swap3A_65 = vector.shape_cast %swap3A_64 : vector<8x1x512xf32> to vector<8x512xf32>
    %swap3A_66 = vector.shape_cast %scan3A_51#4 : vector<8x512xf32> to vector<8x1x512xf32>
    tpu.vector_store %arg2[%swap3A_61, %swap3A_62, %swap3A_63], %swap3A_66 {strides = array<i32>} : memref<8x3x512xf32, #tpu.memory_space<vmem>>, vector<8x1x512xf32>,
    %swap3A_67 = arith.constant 0 : index
    %swap3A_68 = arith.constant 2 : index
    %swap3A_69 = arith.constant 0 : index
    %swap3A_70 = vector.load %arg2[%swap3A_67, %swap3A_68, %swap3A_69] : memref<8x3x512xf32, #tpu.memory_space<vmem>>, vector<8x1x512xf32>
    %swap3A_71 = vector.shape_cast %swap3A_70 : vector<8x1x512xf32> to vector<8x512xf32>
    %swap3A_72 = vector.shape_cast %scan3A_51#5 : vector<8x512xf32> to vector<8x1x512xf32>
    tpu.vector_store %arg2[%swap3A_67, %swap3A_68, %swap3A_69], %swap3A_72 {strides = array<i32>} : memref<8x3x512xf32, #tpu.memory_space<vmem>>, vector<8x1x512xf32>,
    return
  }
}

module attributes {stable_mosaic.version = 14 : i64} {
  func.func @_flags_body(%arg0: i32, %arg1: memref<1x512x3xf32, #tpu.memory_space<vmem>>, %arg2: memref<1x4096x3xf32, #tpu.memory_space<vmem>>, %arg3: memref<1x512x4096xi32, #tpu.memory_space<vmem>>) attributes {dimension_semantics = [#tpu.dimension_semantics<arbitrary>], iteration_bounds = array<i64: 8>, scalar_prefetch = 0 : i64, scratch_operands = 0 : i64, tpu.core_type = #tpu.core_type<tc>, window_params = [{transform_indices = @transform_0, window_bounds = array<i64: 1, 512, 3>}, {transform_indices = @transform_1, window_bounds = array<i64: 1, 4096, 3>}, {transform_indices = @transform_2, window_bounds = array<i64: 1, 512, 4096>}]} {
    %get3A = arith.constant 0 : index
    %get3A_0 = arith.constant 0 : index
    %get3A_1 = arith.constant 0 : index
    %get3A_2 = vector.load %arg1[%get3A, %get3A_0, %get3A_1] : memref<1x512x3xf32, #tpu.memory_space<vmem>>, vector<1x512x3xf32>
    %get3A_3 = vector.shape_cast %get3A_2 : vector<1x512x3xf32> to vector<512x3xf32>
    %get3A_4 = arith.constant 0 : index
    %get3A_5 = arith.constant 0 : index
    %get3A_6 = arith.constant 0 : index
    %get3A_7 = vector.load %arg2[%get3A_4, %get3A_5, %get3A_6] : memref<1x4096x3xf32, #tpu.memory_space<vmem>>, vector<1x4096x3xf32>
    %get3A_8 = vector.shape_cast %get3A_7 : vector<1x4096x3xf32> to vector<4096x3xf32>
    %dot_general3A = arith.constant dense<0.000000e+00> : vector<512x4096xf32>
    %dot_general3A_9 = tpu.matmul %get3A_3, %get3A_8, %dot_general3A {dimension_numbers = #tpu.dot_dimension_numbers<[1], [1], [0], [0], [0, 0, 1, 0], [], []>, transpose_lhs_hint = false} : vector<512x3xf32>, vector<4096x3xf32>, vector<512x4096xf32> -> vector<512x4096xf32>
    %mul3A = arith.constant -2.000000e+00 : f32
    %mul3A_10 = vector.broadcast %mul3A : f32 to vector<512x4096xf32>
    %mul3A_11 = arith.mulf %mul3A_10, %dot_general3A_9 : vector<512x4096xf32>
    %integer_pow3A = arith.mulf %get3A_3, %get3A_3 : vector<512x3xf32>
    %reduce_sum3A = arith.constant dense<0.000000e+00> : vector<512xf32>
    %reduce_sum3A_12 = vector.multi_reduction <add>, %integer_pow3A, %reduce_sum3A [1] : vector<512x3xf32> to vector<512xf32>
    %broadcast_in_dim3A = vector.shape_cast %reduce_sum3A_12 : vector<512xf32> to vector<512x1xf32>
    %add3A = vector.broadcast %broadcast_in_dim3A : vector<512x1xf32> to vector<512x4096xf32>
    %add3A_13 = arith.addf %mul3A_11, %add3A : vector<512x4096xf32>
    %integer_pow3A_14 = arith.mulf %get3A_8, %get3A_8 : vector<4096x3xf32>
    %reduce_sum3A_15 = arith.constant dense<0.000000e+00> : vector<4096xf32>
    %reduce_sum3A_16 = vector.multi_reduction <add>, %integer_pow3A_14, %reduce_sum3A_15 [1] : vector<4096x3xf32> to vector<4096xf32>
    %broadcast_in_dim3A_17 = vector.shape_cast %reduce_sum3A_16 : vector<4096xf32> to vector<1x4096xf32>
    %add3A_18 = vector.broadcast %broadcast_in_dim3A_17 : vector<1x4096xf32> to vector<512x4096xf32>
    %add3A_19 = arith.addf %add3A_13, %add3A_18 : vector<512x4096xf32>
    %le3A = arith.constant 4.000000e-02 : f32
    %le3A_20 = vector.broadcast %le3A : f32 to vector<512x4096xf32>
    %le3A_21 = arith.cmpf ole, %add3A_19, %le3A_20 : vector<512x4096xf32>
    %convert_element_type3A = arith.extui %le3A_21 : vector<512x4096xi1> to vector<512x4096xi32>
    %swap3A = arith.constant 0 : index
    %swap3A_22 = arith.constant 0 : index
    %swap3A_23 = arith.constant 0 : index
    %swap3A_24 = vector.load %arg3[%swap3A, %swap3A_22, %swap3A_23] : memref<1x512x4096xi32, #tpu.memory_space<vmem>>, vector<1x512x4096xi32>
    %swap3A_25 = vector.shape_cast %swap3A_24 : vector<1x512x4096xi32> to vector<512x4096xi32>
    %swap3A_26 = vector.shape_cast %convert_element_type3A : vector<512x4096xi32> to vector<1x512x4096xi32>
    tpu.vector_store %arg3[%swap3A, %swap3A_22, %swap3A_23], %swap3A_26 {strides = array<i32>} : memref<1x512x4096xi32, #tpu.memory_space<vmem>>, vector<1x512x4096xi32>,
    return
  }
  func.func @transform_0(%arg0: i32) -> (i32, i32, i32) {
    %c0_i32 = arith.constant 0 : i32
    %c0_i32_0 = arith.constant 0 : i32
    %c0_i32_1 = arith.constant 0 : i32
    return %arg0, %c0_i32, %c0_i32_0 : i32, i32, i32
  }
  func.func @transform_1(%arg0: i32) -> (i32, i32, i32) {
    %c0_i32 = arith.constant 0 : i32
    %c0_i32_0 = arith.constant 0 : i32
    %c0_i32_1 = arith.constant 0 : i32
    return %arg0, %c0_i32, %c0_i32_0 : i32, i32, i32
  }
  func.func @transform_2(%arg0: i32) -> (i32, i32, i32) {
    %c0_i32 = arith.constant 0 : i32
    %c0_i32_0 = arith.constant 0 : i32
    %c0_i32_1 = arith.constant 0 : i32
    return %arg0, %c0_i32, %c0_i32_0 : i32, i32, i32
  }
}

module attributes {stable_mosaic.version = 14 : i64} {
  func.func @_g1_body(%arg0: i32, %arg1: memref<1x1x4096xf32, #tpu.memory_space<vmem>>, %arg2: memref<1x64x4096xf32, #tpu.memory_space<vmem>>, %arg3: memref<1x1x512xf32, #tpu.memory_space<vmem>>, %arg4: memref<64x66xf32, #tpu.memory_space<vmem>>, %arg5: memref<1x64xf32, #tpu.memory_space<vmem>>, %arg6: memref<1x4096x64xf32, #tpu.memory_space<vmem>>, %arg7: memref<1x512x64xf32, #tpu.memory_space<vmem>>) attributes {dimension_semantics = [#tpu.dimension_semantics<arbitrary>], iteration_bounds = array<i64: 24>, scalar_prefetch = 0 : i64, scratch_operands = 0 : i64, tpu.core_type = #tpu.core_type<tc>, window_params = [{transform_indices = @transform_0, window_bounds = array<i64: 1, 1, 4096>}, {transform_indices = @transform_1, window_bounds = array<i64: 1, 64, 4096>}, {transform_indices = @transform_2, window_bounds = array<i64: 1, 1, 512>}, {pipeline_mode = #tpu.pipeline_mode<synchronous>, transform_indices = @transform_3, window_bounds = array<i64: 64, 66>}, {pipeline_mode = #tpu.pipeline_mode<synchronous>, transform_indices = @transform_4, window_bounds = array<i64: 1, 64>}, {transform_indices = @transform_5, window_bounds = array<i64: 1, 4096, 64>}, {transform_indices = @transform_6, window_bounds = array<i64: 1, 512, 64>}]} {
    %get3A = arith.constant 0 : index
    %get3A_0 = arith.constant 0 : index
    %get3A_1 = arith.constant 0 : index
    %get3A_2 = vector.load %arg2[%get3A, %get3A_0, %get3A_1] : memref<1x64x4096xf32, #tpu.memory_space<vmem>>, vector<1x64x4096xf32>
    %get3A_3 = vector.shape_cast %get3A_2 : vector<1x64x4096xf32> to vector<64x4096xf32>
    %get3A_4 = arith.constant 0 : index
    %get3A_5 = arith.constant 0 : index
    %get3A_6 = arith.constant 0 : index
    %get3A_7 = vector.load %arg1[%get3A_4, %get3A_5, %get3A_6] : memref<1x1x4096xf32, #tpu.memory_space<vmem>>, vector<1x1x4096xf32>
    %get3A_8 = vector.shape_cast %get3A_7 : vector<1x1x4096xf32> to vector<4096xf32>
    %get3A_9 = arith.constant 0 : index
    %get3A_10 = arith.constant 0 : index
    %get3A_11 = arith.constant 0 : index
    %get3A_12 = vector.load %arg3[%get3A_9, %get3A_10, %get3A_11] : memref<1x1x512xf32, #tpu.memory_space<vmem>>, vector<1x1x512xf32>
    %get3A_13 = vector.shape_cast %get3A_12 : vector<1x1x512xf32> to vector<512xf32>
    %get3A_14 = arith.constant 0 : index
    %get3A_15 = arith.constant 0 : index
    %get3A_16 = vector.load %arg4[%get3A_14, %get3A_15] : memref<64x66xf32, #tpu.memory_space<vmem>>, vector<64x66xf32>
    %get3A_17 = arith.constant 0 : index
    %get3A_18 = arith.constant 0 : index
    %get3A_19 = vector.load %arg5[%get3A_17, %get3A_18] : memref<1x64xf32, #tpu.memory_space<vmem>>, vector<1x64xf32>
    %slice3A = vector.extract_strided_slice %get3A_16 {offsets = [0, 0], sizes = [64, 1], strides = [1, 1]} : vector<64x66xf32> to vector<64x1xf32>
    %squeeze3A = vector.shape_cast %slice3A : vector<64x1xf32> to vector<64xf32>
    %slice3A_20 = vector.extract_strided_slice %get3A_16 {offsets = [0, 1], sizes = [64, 1], strides = [1, 1]} : vector<64x66xf32> to vector<64x1xf32>
    %squeeze3A_21 = vector.shape_cast %slice3A_20 : vector<64x1xf32> to vector<64xf32>
    %add3A = arith.addf %squeeze3A, %squeeze3A_21 : vector<64xf32>
    %slice3A_22 = vector.extract_strided_slice %get3A_16 {offsets = [0, 2], sizes = [64, 64], strides = [1, 1]} : vector<64x66xf32> to vector<64x64xf32>
    %dot_general3A = arith.constant dense<0.000000e+00> : vector<4096x64xf32>
    %dot_general3A_23 = tpu.matmul %get3A_3, %slice3A_22, %dot_general3A {dimension_numbers = #tpu.dot_dimension_numbers<[0], [1], [1], [0], [0, 1, 1, 0], [], []>, transpose_lhs_hint = false} : vector<64x4096xf32>, vector<64x64xf32>, vector<4096x64xf32> -> vector<4096x64xf32>
    %broadcast_in_dim3A = vector.shape_cast %get3A_8 : vector<4096xf32> to vector<4096x1xf32>
    %broadcast_in_dim3A_24 = vector.shape_cast %add3A : vector<64xf32> to vector<1x64xf32>
    %mul3A = vector.broadcast %broadcast_in_dim3A : vector<4096x1xf32> to vector<4096x64xf32>
    %mul3A_25 = vector.broadcast %broadcast_in_dim3A_24 : vector<1x64xf32> to vector<4096x64xf32>
    %mul3A_26 = arith.mulf %mul3A, %mul3A_25 : vector<4096x64xf32>
    %add3A_27 = arith.addf %dot_general3A_23, %mul3A_26 : vector<4096x64xf32>
    %swap3A = arith.constant 0 : index
    %swap3A_28 = arith.constant 0 : index
    %swap3A_29 = arith.constant 0 : index
    %swap3A_30 = vector.load %arg6[%swap3A, %swap3A_28, %swap3A_29] : memref<1x4096x64xf32, #tpu.memory_space<vmem>>, vector<1x4096x64xf32>
    %swap3A_31 = vector.shape_cast %swap3A_30 : vector<1x4096x64xf32> to vector<4096x64xf32>
    %swap3A_32 = vector.shape_cast %add3A_27 : vector<4096x64xf32> to vector<1x4096x64xf32>
    tpu.vector_store %arg6[%swap3A, %swap3A_28, %swap3A_29], %swap3A_32 {strides = array<i32>} : memref<1x4096x64xf32, #tpu.memory_space<vmem>>, vector<1x4096x64xf32>,
    %broadcast_in_dim3A_33 = vector.shape_cast %get3A_13 : vector<512xf32> to vector<512x1xf32>
    %slice3A_34 = vector.extract_strided_slice %get3A_16 {offsets = [0, 0], sizes = [64, 1], strides = [1, 1]} : vector<64x66xf32> to vector<64x1xf32>
    %squeeze3A_35 = vector.shape_cast %slice3A_34 : vector<64x1xf32> to vector<64xf32>
    %broadcast_in_dim3A_36 = vector.shape_cast %squeeze3A_35 : vector<64xf32> to vector<1x64xf32>
    %mul3A_37 = vector.broadcast %broadcast_in_dim3A_33 : vector<512x1xf32> to vector<512x64xf32>
    %mul3A_38 = vector.broadcast %broadcast_in_dim3A_36 : vector<1x64xf32> to vector<512x64xf32>
    %mul3A_39 = arith.mulf %mul3A_37, %mul3A_38 : vector<512x64xf32>
    %sub3A = vector.broadcast %get3A_19 : vector<1x64xf32> to vector<512x64xf32>
    %sub3A_40 = arith.subf %sub3A, %mul3A_39 : vector<512x64xf32>
    %swap3A_41 = arith.constant 0 : index
    %swap3A_42 = arith.constant 0 : index
    %swap3A_43 = arith.constant 0 : index
    %swap3A_44 = vector.load %arg7[%swap3A_41, %swap3A_42, %swap3A_43] : memref<1x512x64xf32, #tpu.memory_space<vmem>>, vector<1x512x64xf32>
    %swap3A_45 = vector.shape_cast %swap3A_44 : vector<1x512x64xf32> to vector<512x64xf32>
    %swap3A_46 = vector.shape_cast %sub3A_40 : vector<512x64xf32> to vector<1x512x64xf32>
    tpu.vector_store %arg7[%swap3A_41, %swap3A_42, %swap3A_43], %swap3A_46 {strides = array<i32>} : memref<1x512x64xf32, #tpu.memory_space<vmem>>, vector<1x512x64xf32>,
    return
  }
  func.func @transform_0(%arg0: i32) -> (i32, i32, i32) {
    %c0_i32 = arith.constant 0 : i32
    %c0_i32_0 = arith.constant 0 : i32
    %c0_i32_1 = arith.constant 0 : i32
    return %arg0, %c0_i32, %c0_i32_0 : i32, i32, i32
  }
  func.func @transform_1(%arg0: i32) -> (i32, i32, i32) {
    %c0_i32 = arith.constant 0 : i32
    %c0_i32_0 = arith.constant 0 : i32
    %c0_i32_1 = arith.constant 0 : i32
    return %arg0, %c0_i32, %c0_i32_0 : i32, i32, i32
  }
  func.func @transform_2(%arg0: i32) -> (i32, i32, i32) {
    %c0_i32 = arith.constant 0 : i32
    %c0_i32_0 = arith.constant 0 : i32
    %c0_i32_1 = arith.constant 0 : i32
    return %arg0, %c0_i32, %c0_i32_0 : i32, i32, i32
  }
  func.func @transform_3(%arg0: i32) -> (i32, i32) {
    %c0_i32 = arith.constant 0 : i32
    %c0_i32_0 = arith.constant 0 : i32
    %c0_i32_1 = arith.constant 0 : i32
    return %c0_i32, %c0_i32_0 : i32, i32
  }
  func.func @transform_4(%arg0: i32) -> (i32, i32) {
    %c0_i32 = arith.constant 0 : i32
    %c0_i32_0 = arith.constant 0 : i32
    %c0_i32_1 = arith.constant 0 : i32
    return %c0_i32, %c0_i32_0 : i32, i32
  }
  func.func @transform_5(%arg0: i32) -> (i32, i32, i32) {
    %c0_i32 = arith.constant 0 : i32
    %c0_i32_0 = arith.constant 0 : i32
    %c0_i32_1 = arith.constant 0 : i32
    return %arg0, %c0_i32, %c0_i32_0 : i32, i32, i32
  }
  func.func @transform_6(%arg0: i32) -> (i32, i32, i32) {
    %c0_i32 = arith.constant 0 : i32
    %c0_i32_0 = arith.constant 0 : i32
    %c0_i32_1 = arith.constant 0 : i32
    return %arg0, %c0_i32, %c0_i32_0 : i32, i32, i32
  }
}

module attributes {stable_mosaic.version = 14 : i64} {
  func.func @_stats1_body(%arg0: i32, %arg1: i32, %arg2: memref<1x4096x64xf32, #tpu.memory_space<vmem>>, %arg3: memref<1x64x64xf32, #tpu.memory_space<vmem>>, %arg4: memref<1x64xf32, #tpu.memory_space<vmem>>) attributes {dimension_semantics = [#tpu.dimension_semantics<arbitrary>, #tpu.dimension_semantics<arbitrary>], iteration_bounds = array<i64: 24, 8>, scalar_prefetch = 0 : i64, scratch_operands = 0 : i64, tpu.core_type = #tpu.core_type<tc>, window_params = [{transform_indices = @transform_0, window_bounds = array<i64: 1, 4096, 64>}, {transform_indices = @transform_1, window_bounds = array<i64: 1, 64, 64>}, {pipeline_mode = #tpu.pipeline_mode<synchronous>, transform_indices = @transform_2, window_bounds = array<i64: 1, 64>}]} {
    %eq3A = arith.constant 0 : i32
    %eq3A_0 = arith.cmpi eq, %arg0, %eq3A : i32
    %eq3A_1 = arith.constant 0 : i32
    %eq3A_2 = arith.cmpi eq, %arg1, %eq3A_1 : i32
    %and3A = arith.andi %eq3A_0, %eq3A_2 : i1
    %convert_element_type3A = arith.extui %and3A : i1 to i32
    %cond3A = arith.constant 0 : i32
    %cond3A_3 = arith.cmpi ne, %convert_element_type3A, %cond3A : i32
    scf.if %cond3A_3 {
      %broadcast_in_dim3A_22 = arith.constant 0.000000e+00 : f32
      %broadcast_in_dim3A_23 = vector.broadcast %broadcast_in_dim3A_22 : f32 to vector<1x64xf32>
      %swap3A_24 = arith.constant 0 : index
      %swap3A_25 = arith.constant 0 : index
      %swap3A_26 = vector.load %arg4[%swap3A_24, %swap3A_25] : memref<1x64xf32, #tpu.memory_space<vmem>>, vector<1x64xf32>
      tpu.vector_store %arg4[%swap3A_24, %swap3A_25], %broadcast_in_dim3A_23 {strides = array<i32>} : memref<1x64xf32, #tpu.memory_space<vmem>>, vector<1x64xf32>,
    } else {
    }
    %get3A = arith.constant 0 : index
    %get3A_4 = arith.constant 0 : index
    %get3A_5 = arith.constant 0 : index
    %get3A_6 = vector.load %arg2[%get3A, %get3A_4, %get3A_5] : memref<1x4096x64xf32, #tpu.memory_space<vmem>>, vector<1x4096x64xf32>
    %get3A_7 = vector.shape_cast %get3A_6 : vector<1x4096x64xf32> to vector<4096x64xf32>
    %get3A_8 = arith.constant 0 : index
    %get3A_9 = arith.constant 0 : index
    %get3A_10 = arith.constant 0 : index
    %get3A_11 = vector.load %arg3[%get3A_8, %get3A_9, %get3A_10] : memref<1x64x64xf32, #tpu.memory_space<vmem>>, vector<1x64x64xf32>
    %get3A_12 = vector.shape_cast %get3A_11 : vector<1x64x64xf32> to vector<64x64xf32>
    %reshape3A = vector.shape_cast %get3A_7 : vector<4096x64xf32> to vector<64x64x64xf32>
    %broadcast_in_dim3A = vector.shape_cast %get3A_12 : vector<64x64xf32> to vector<64x1x64xf32>
    %add3A = vector.broadcast %broadcast_in_dim3A : vector<64x1x64xf32> to vector<64x64x64xf32>
    %add3A_13 = arith.addf %reshape3A, %add3A : vector<64x64x64xf32>
    %get3A_14 = arith.constant 0 : index
    %get3A_15 = arith.constant 0 : index
    %get3A_16 = vector.load %arg4[%get3A_14, %get3A_15] : memref<1x64xf32, #tpu.memory_space<vmem>>, vector<1x64xf32>
    %mul3A = arith.mulf %add3A_13, %add3A_13 : vector<64x64x64xf32>
    %reduce_sum3A = arith.constant dense<0.000000e+00> : vector<64xf32>
    %reduce_sum3A_17 = vector.multi_reduction <add>, %mul3A, %reduce_sum3A [0, 1] : vector<64x64x64xf32> to vector<64xf32>
    %reshape3A_18 = vector.shape_cast %reduce_sum3A_17 : vector<64xf32> to vector<1x64xf32>
    %add3A_19 = arith.addf %get3A_16, %reshape3A_18 : vector<1x64xf32>
    %swap3A = arith.constant 0 : index
    %swap3A_20 = arith.constant 0 : index
    %swap3A_21 = vector.load %arg4[%swap3A, %swap3A_20] : memref<1x64xf32, #tpu.memory_space<vmem>>, vector<1x64xf32>
    tpu.vector_store %arg4[%swap3A, %swap3A_20], %add3A_19 {strides = array<i32>} : memref<1x64xf32, #tpu.memory_space<vmem>>, vector<1x64xf32>,
    return
  }
  func.func @transform_0(%arg0: i32, %arg1: i32) -> (i32, i32, i32) {
    %c0_i32 = arith.constant 0 : i32
    %c0_i32_0 = arith.constant 0 : i32
    return %arg0, %arg1, %c0_i32 : i32, i32, i32
  }
  func.func @transform_1(%arg0: i32, %arg1: i32) -> (i32, i32, i32) {
    %c0_i32 = arith.constant 0 : i32
    %c0_i32_0 = arith.constant 0 : i32
    return %arg0, %arg1, %c0_i32 : i32, i32, i32
  }
  func.func @transform_2(%arg0: i32, %arg1: i32) -> (i32, i32) {
    %c0_i32 = arith.constant 0 : i32
    %c0_i32_0 = arith.constant 0 : i32
    %c0_i32_1 = arith.constant 0 : i32
    return %c0_i32, %c0_i32_0 : i32, i32
  }
}

module attributes {stable_mosaic.version = 14 : i64} {
  func.func @_layer2_body(%arg0: i32, %arg1: i32, %arg2: memref<3x4096x64xf32, #tpu.memory_space<vmem>>, %arg3: memref<3x64x64xf32, #tpu.memory_space<vmem>>, %arg4: memref<1x64xf32, #tpu.memory_space<vmem>>, %arg5: memref<64x64xbf16, #tpu.memory_space<vmem>>, %arg6: memref<1x64xf32, #tpu.memory_space<vmem>>, %arg7: memref<3x4096x64xbf16, #tpu.memory_space<vmem>>, %arg8: memref<1x64xf32, #tpu.memory_space<vmem>>) attributes {dimension_semantics = [#tpu.dimension_semantics<arbitrary>, #tpu.dimension_semantics<arbitrary>], iteration_bounds = array<i64: 8, 8>, scalar_prefetch = 0 : i64, scratch_operands = 0 : i64, tpu.core_type = #tpu.core_type<tc>, window_params = [{transform_indices = @transform_0, window_bounds = array<i64: 3, 4096, 64>}, {transform_indices = @transform_1, window_bounds = array<i64: 3, 64, 64>}, {pipeline_mode = #tpu.pipeline_mode<synchronous>, transform_indices = @transform_2, window_bounds = array<i64: 1, 64>}, {pipeline_mode = #tpu.pipeline_mode<synchronous>, transform_indices = @transform_3, window_bounds = array<i64: 64, 64>}, {pipeline_mode = #tpu.pipeline_mode<synchronous>, transform_indices = @transform_4, window_bounds = array<i64: 1, 64>}, {transform_indices = @transform_5, window_bounds = array<i64: 3, 4096, 64>}, {pipeline_mode = #tpu.pipeline_mode<synchronous>, transform_indices = @transform_6, window_bounds = array<i64: 1, 64>}]} {
    %eq3A = arith.constant 0 : i32
    %eq3A_0 = arith.cmpi eq, %arg0, %eq3A : i32
    %eq3A_1 = arith.constant 0 : i32
    %eq3A_2 = arith.cmpi eq, %arg1, %eq3A_1 : i32
    %and3A = arith.andi %eq3A_0, %eq3A_2 : i1
    %convert_element_type3A = arith.extui %and3A : i1 to i32
    %cond3A = arith.constant 0 : i32
    %cond3A_3 = arith.cmpi ne, %convert_element_type3A, %cond3A : i32
    scf.if %cond3A_3 {
      %broadcast_in_dim3A_122 = arith.constant 0.000000e+00 : f32
      %broadcast_in_dim3A_123 = vector.broadcast %broadcast_in_dim3A_122 : f32 to vector<1x64xf32>
      %swap3A_124 = arith.constant 0 : index
      %swap3A_125 = arith.constant 0 : index
      %swap3A_126 = vector.load %arg8[%swap3A_124, %swap3A_125] : memref<1x64xf32, #tpu.memory_space<vmem>>, vector<1x64xf32>
      tpu.vector_store %arg8[%swap3A_124, %swap3A_125], %broadcast_in_dim3A_123 {strides = array<i32>} : memref<1x64xf32, #tpu.memory_space<vmem>>, vector<1x64xf32>,
    } else {
    }
    %get3A = arith.constant 0 : index
    %get3A_4 = arith.constant 0 : index
    %get3A_5 = vector.load %arg4[%get3A, %get3A_4] : memref<1x64xf32, #tpu.memory_space<vmem>>, vector<1x64xf32>
    %get3A_6 = vector.shape_cast %get3A_5 : vector<1x64xf32> to vector<64xf32>
    %div3A = arith.constant 7.864320e+05 : f32
    %div3A_7 = vector.broadcast %div3A : f32 to vector<64xf32>
    %div3A_8 = arith.divf %get3A_6, %div3A_7 : vector<64xf32>
    %add3A = arith.constant 9.99999974E-6 : f32
    %add3A_9 = vector.broadcast %add3A : f32 to vector<64xf32>
    %add3A_10 = arith.addf %div3A_8, %add3A_9 : vector<64xf32>
    %rsqrt3A = math.rsqrt %add3A_10 : vector<64xf32>
    %get3A_11 = arith.constant 0 : index
    %get3A_12 = arith.constant 0 : index
    %get3A_13 = arith.constant 0 : index
    %get3A_14 = vector.load %arg2[%get3A_11, %get3A_12, %get3A_13] : memref<3x4096x64xf32, #tpu.memory_space<vmem>>, vector<3x4096x64xf32>
    %get3A_15 = arith.constant 0 : index
    %get3A_16 = arith.constant 0 : index
    %get3A_17 = arith.constant 0 : index
    %get3A_18 = vector.load %arg3[%get3A_15, %get3A_16, %get3A_17] : memref<3x64x64xf32, #tpu.memory_space<vmem>>, vector<3x64x64xf32>
    %reshape3A = vector.shape_cast %get3A_14 : vector<3x4096x64xf32> to vector<3x64x64x64xf32>
    %broadcast_in_dim3A = vector.shape_cast %get3A_18 : vector<3x64x64xf32> to vector<3x64x1x64xf32>
    %add3A_19 = vector.broadcast %broadcast_in_dim3A : vector<3x64x1x64xf32> to vector<3x64x64x64xf32>
    %add3A_20 = arith.addf %reshape3A, %add3A_19 : vector<3x64x64x64xf32>
    %broadcast_in_dim3A_21 = vector.shape_cast %rsqrt3A : vector<64xf32> to vector<1x1x1x64xf32>
    %mul3A = vector.broadcast %broadcast_in_dim3A_21 : vector<1x1x1x64xf32> to vector<3x64x64x64xf32>
    %mul3A_22 = arith.mulf %add3A_20, %mul3A : vector<3x64x64x64xf32>
    %slice3A = vector.extract_strided_slice %mul3A_22 {offsets = [0, 0, 0, 0], sizes = [1, 64, 64, 64], strides = [1, 1, 1, 1]} : vector<3x64x64x64xf32> to vector<1x64x64x64xf32>
    %squeeze3A = vector.shape_cast %slice3A : vector<1x64x64x64xf32> to vector<64x64x64xf32>
    %slice3A_23 = vector.extract_strided_slice %mul3A_22 {offsets = [0, 0, 0, 0], sizes = [1, 64, 64, 64], strides = [1, 1, 1, 1]} : vector<3x64x64x64xf32> to vector<1x64x64x64xf32>
    %squeeze3A_24 = vector.shape_cast %slice3A_23 : vector<1x64x64x64xf32> to vector<64x64x64xf32>
    %mul3A_25 = arith.mulf %squeeze3A, %squeeze3A_24 : vector<64x64x64xf32>
    %slice3A_26 = vector.extract_strided_slice %mul3A_22 {offsets = [1, 0, 0, 0], sizes = [1, 64, 64, 64], strides = [1, 1, 1, 1]} : vector<3x64x64x64xf32> to vector<1x64x64x64xf32>
    %squeeze3A_27 = vector.shape_cast %slice3A_26 : vector<1x64x64x64xf32> to vector<64x64x64xf32>
    %slice3A_28 = vector.extract_strided_slice %mul3A_22 {offsets = [1, 0, 0, 0], sizes = [1, 64, 64, 64], strides = [1, 1, 1, 1]} : vector<3x64x64x64xf32> to vector<1x64x64x64xf32>
    %squeeze3A_29 = vector.shape_cast %slice3A_28 : vector<1x64x64x64xf32> to vector<64x64x64xf32>
    %mul3A_30 = arith.mulf %squeeze3A_27, %squeeze3A_29 : vector<64x64x64xf32>
    %add3A_31 = arith.addf %mul3A_25, %mul3A_30 : vector<64x64x64xf32>
    %slice3A_32 = vector.extract_strided_slice %mul3A_22 {offsets = [2, 0, 0, 0], sizes = [1, 64, 64, 64], strides = [1, 1, 1, 1]} : vector<3x64x64x64xf32> to vector<1x64x64x64xf32>
    %squeeze3A_33 = vector.shape_cast %slice3A_32 : vector<1x64x64x64xf32> to vector<64x64x64xf32>
    %slice3A_34 = vector.extract_strided_slice %mul3A_22 {offsets = [2, 0, 0, 0], sizes = [1, 64, 64, 64], strides = [1, 1, 1, 1]} : vector<3x64x64x64xf32> to vector<1x64x64x64xf32>
    %squeeze3A_35 = vector.shape_cast %slice3A_34 : vector<1x64x64x64xf32> to vector<64x64x64xf32>
    %mul3A_36 = arith.mulf %squeeze3A_33, %squeeze3A_35 : vector<64x64x64xf32>
    %add3A_37 = arith.addf %add3A_31, %mul3A_36 : vector<64x64x64xf32>
    %min3A = arith.constant 1.000000e+00 : f32
    %min3A_38 = vector.broadcast %min3A : f32 to vector<64x64x64xf32>
    %min3A_39 = arith.minimumf %add3A_37, %min3A_38 : vector<64x64x64xf32>
    %sqrt3A = math.sqrt %min3A_39 : vector<64x64x64xf32>
    %broadcast_in_dim3A_40 = vector.shape_cast %sqrt3A : vector<64x64x64xf32> to vector<1x64x64x64xf32>
    %mul3A_41 = vector.broadcast %broadcast_in_dim3A_40 : vector<1x64x64x64xf32> to vector<3x64x64x64xf32>
    %mul3A_42 = arith.mulf %mul3A_22, %mul3A_41 : vector<3x64x64x64xf32>
    %reshape3A_43 = vector.shape_cast %mul3A_42 : vector<3x64x64x64xf32> to vector<3x4096x64xf32>
    %get3A_44 = arith.constant 0 : index
    %get3A_45 = arith.constant 0 : index
    %get3A_46 = vector.load %arg5[%get3A_44, %get3A_45] : memref<64x64xbf16, #tpu.memory_space<vmem>>, vector<64x64xbf16>
    %get3A_47 = arith.constant 0 : index
    %get3A_48 = arith.constant 0 : index
    %get3A_49 = vector.load %arg6[%get3A_47, %get3A_48] : memref<1x64xf32, #tpu.memory_space<vmem>>, vector<1x64xf32>
    %slice3A_50 = vector.extract_strided_slice %reshape3A_43 {offsets = [0, 0, 0], sizes = [1, 4096, 64], strides = [1, 1, 1]} : vector<3x4096x64xf32> to vector<1x4096x64xf32>
    %squeeze3A_51 = vector.shape_cast %slice3A_50 : vector<1x4096x64xf32> to vector<4096x64xf32>
    %convert_element_type3A_52 = arith.truncf %squeeze3A_51 : vector<4096x64xf32> to vector<4096x64xbf16>
    %dot_general3A = arith.constant dense<0.000000e+00> : vector<4096x64xf32>
    %dot_general3A_53 = tpu.matmul %convert_element_type3A_52, %get3A_46, %dot_general3A {dimension_numbers = #tpu.dot_dimension_numbers<[1], [1], [0], [0], [0, 0, 1, 0], [], []>, transpose_lhs_hint = false} : vector<4096x64xbf16>, vector<64x64xbf16>, vector<4096x64xf32> -> vector<4096x64xf32>
    %add3A_54 = vector.broadcast %get3A_49 : vector<1x64xf32> to vector<4096x64xf32>
    %add3A_55 = arith.addf %dot_general3A_53, %add3A_54 : vector<4096x64xf32>
    %convert_element_type3A_56 = arith.truncf %add3A_55 : vector<4096x64xf32> to vector<4096x64xbf16>
    %swap3A = arith.constant 0 : index
    %swap3A_57 = arith.constant 0 : index
    %swap3A_58 = arith.constant 0 : index
    %swap3A_59 = vector.load %arg7[%swap3A, %swap3A_57, %swap3A_58] : memref<3x4096x64xbf16, #tpu.memory_space<vmem>>, vector<1x4096x64xbf16>
    %swap3A_60 = vector.shape_cast %swap3A_59 : vector<1x4096x64xbf16> to vector<4096x64xbf16>
    %swap3A_61 = vector.shape_cast %convert_element_type3A_56 : vector<4096x64xbf16> to vector<1x4096x64xbf16>
    tpu.vector_store %arg7[%swap3A, %swap3A_57, %swap3A_58], %swap3A_61 {strides = array<i32>} : memref<3x4096x64xbf16, #tpu.memory_space<vmem>>, vector<1x4096x64xbf16>,
    %get3A_62 = arith.constant 0 : index
    %get3A_63 = arith.constant 0 : index
    %get3A_64 = vector.load %arg8[%get3A_62, %get3A_63] : memref<1x64xf32, #tpu.memory_space<vmem>>, vector<1x64xf32>
    %mul3A_65 = arith.mulf %add3A_55, %add3A_55 : vector<4096x64xf32>
    %reduce_sum3A = arith.constant dense<0.000000e+00> : vector<64xf32>
    %reduce_sum3A_66 = vector.multi_reduction <add>, %mul3A_65, %reduce_sum3A [0] : vector<4096x64xf32> to vector<64xf32>
    %reshape3A_67 = vector.shape_cast %reduce_sum3A_66 : vector<64xf32> to vector<1x64xf32>
    %add3A_68 = arith.addf %get3A_64, %reshape3A_67 : vector<1x64xf32>
    %swap3A_69 = arith.constant 0 : index
    %swap3A_70 = arith.constant 0 : index
    %swap3A_71 = vector.load %arg8[%swap3A_69, %swap3A_70] : memref<1x64xf32, #tpu.memory_space<vmem>>, vector<1x64xf32>
    tpu.vector_store %arg8[%swap3A_69, %swap3A_70], %add3A_68 {strides = array<i32>} : memref<1x64xf32, #tpu.memory_space<vmem>>, vector<1x64xf32>,
    %slice3A_72 = vector.extract_strided_slice %reshape3A_43 {offsets = [1, 0, 0], sizes = [1, 4096, 64], strides = [1, 1, 1]} : vector<3x4096x64xf32> to vector<1x4096x64xf32>
    %squeeze3A_73 = vector.shape_cast %slice3A_72 : vector<1x4096x64xf32> to vector<4096x64xf32>
    %convert_element_type3A_74 = arith.truncf %squeeze3A_73 : vector<4096x64xf32> to vector<4096x64xbf16>
    %dot_general3A_75 = arith.constant dense<0.000000e+00> : vector<4096x64xf32>
    %dot_general3A_76 = tpu.matmul %convert_element_type3A_74, %get3A_46, %dot_general3A_75 {dimension_numbers = #tpu.dot_dimension_numbers<[1], [1], [0], [0], [0, 0, 1, 0], [], []>, transpose_lhs_hint = false} : vector<4096x64xbf16>, vector<64x64xbf16>, vector<4096x64xf32> -> vector<4096x64xf32>
    %add3A_77 = vector.broadcast %get3A_49 : vector<1x64xf32> to vector<4096x64xf32>
    %add3A_78 = arith.addf %dot_general3A_76, %add3A_77 : vector<4096x64xf32>
    %convert_element_type3A_79 = arith.truncf %add3A_78 : vector<4096x64xf32> to vector<4096x64xbf16>
    %swap3A_80 = arith.constant 1 : index
    %swap3A_81 = arith.constant 0 : index
    %swap3A_82 = arith.constant 0 : index
    %swap3A_83 = vector.load %arg7[%swap3A_80, %swap3A_81, %swap3A_82] : memref<3x4096x64xbf16, #tpu.memory_space<vmem>>, vector<1x4096x64xbf16>
    %swap3A_84 = vector.shape_cast %swap3A_83 : vector<1x4096x64xbf16> to vector<4096x64xbf16>
    %swap3A_85 = vector.shape_cast %convert_element_type3A_79 : vector<4096x64xbf16> to vector<1x4096x64xbf16>
    tpu.vector_store %arg7[%swap3A_80, %swap3A_81, %swap3A_82], %swap3A_85 {strides = array<i32>} : memref<3x4096x64xbf16, #tpu.memory_space<vmem>>, vector<1x4096x64xbf16>,
    %get3A_86 = arith.constant 0 : index
    %get3A_87 = arith.constant 0 : index
    %get3A_88 = vector.load %arg8[%get3A_86, %get3A_87] : memref<1x64xf32, #tpu.memory_space<vmem>>, vector<1x64xf32>
    %mul3A_89 = arith.mulf %add3A_78, %add3A_78 : vector<4096x64xf32>
    %reduce_sum3A_90 = arith.constant dense<0.000000e+00> : vector<64xf32>
    %reduce_sum3A_91 = vector.multi_reduction <add>, %mul3A_89, %reduce_sum3A_90 [0] : vector<4096x64xf32> to vector<64xf32>
    %reshape3A_92 = vector.shape_cast %reduce_sum3A_91 : vector<64xf32> to vector<1x64xf32>
    %add3A_93 = arith.addf %get3A_88, %reshape3A_92 : vector<1x64xf32>
    %swap3A_94 = arith.constant 0 : index
    %swap3A_95 = arith.constant 0 : index
    %swap3A_96 = vector.load %arg8[%swap3A_94, %swap3A_95] : memref<1x64xf32, #tpu.memory_space<vmem>>, vector<1x64xf32>
    tpu.vector_store %arg8[%swap3A_94, %swap3A_95], %add3A_93 {strides = array<i32>} : memref<1x64xf32, #tpu.memory_space<vmem>>, vector<1x64xf32>,
    %slice3A_97 = vector.extract_strided_slice %reshape3A_43 {offsets = [2, 0, 0], sizes = [1, 4096, 64], strides = [1, 1, 1]} : vector<3x4096x64xf32> to vector<1x4096x64xf32>
    %squeeze3A_98 = vector.shape_cast %slice3A_97 : vector<1x4096x64xf32> to vector<4096x64xf32>
    %convert_element_type3A_99 = arith.truncf %squeeze3A_98 : vector<4096x64xf32> to vector<4096x64xbf16>
    %dot_general3A_100 = arith.constant dense<0.000000e+00> : vector<4096x64xf32>
    %dot_general3A_101 = tpu.matmul %convert_element_type3A_99, %get3A_46, %dot_general3A_100 {dimension_numbers = #tpu.dot_dimension_numbers<[1], [1], [0], [0], [0, 0, 1, 0], [], []>, transpose_lhs_hint = false} : vector<4096x64xbf16>, vector<64x64xbf16>, vector<4096x64xf32> -> vector<4096x64xf32>
    %add3A_102 = vector.broadcast %get3A_49 : vector<1x64xf32> to vector<4096x64xf32>
    %add3A_103 = arith.addf %dot_general3A_101, %add3A_102 : vector<4096x64xf32>
    %convert_element_type3A_104 = arith.truncf %add3A_103 : vector<4096x64xf32> to vector<4096x64xbf16>
    %swap3A_105 = arith.constant 2 : index
    %swap3A_106 = arith.constant 0 : index
    %swap3A_107 = arith.constant 0 : index
    %swap3A_108 = vector.load %arg7[%swap3A_105, %swap3A_106, %swap3A_107] : memref<3x4096x64xbf16, #tpu.memory_space<vmem>>, vector<1x4096x64xbf16>
    %swap3A_109 = vector.shape_cast %swap3A_108 : vector<1x4096x64xbf16> to vector<4096x64xbf16>
    %swap3A_110 = vector.shape_cast %convert_element_type3A_104 : vector<4096x64xbf16> to vector<1x4096x64xbf16>
    tpu.vector_store %arg7[%swap3A_105, %swap3A_106, %swap3A_107], %swap3A_110 {strides = array<i32>} : memref<3x4096x64xbf16, #tpu.memory_space<vmem>>, vector<1x4096x64xbf16>,
    %get3A_111 = arith.constant 0 : index
    %get3A_112 = arith.constant 0 : index
    %get3A_113 = vector.load %arg8[%get3A_111, %get3A_112] : memref<1x64xf32, #tpu.memory_space<vmem>>, vector<1x64xf32>
    %mul3A_114 = arith.mulf %add3A_103, %add3A_103 : vector<4096x64xf32>
    %reduce_sum3A_115 = arith.constant dense<0.000000e+00> : vector<64xf32>
    %reduce_sum3A_116 = vector.multi_reduction <add>, %mul3A_114, %reduce_sum3A_115 [0] : vector<4096x64xf32> to vector<64xf32>
    %reshape3A_117 = vector.shape_cast %reduce_sum3A_116 : vector<64xf32> to vector<1x64xf32>
    %add3A_118 = arith.addf %get3A_113, %reshape3A_117 : vector<1x64xf32>
    %swap3A_119 = arith.constant 0 : index
    %swap3A_120 = arith.constant 0 : index
    %swap3A_121 = vector.load %arg8[%swap3A_119, %swap3A_120] : memref<1x64xf32, #tpu.memory_space<vmem>>, vector<1x64xf32>
    tpu.vector_store %arg8[%swap3A_119, %swap3A_120], %add3A_118 {strides = array<i32>} : memref<1x64xf32, #tpu.memory_space<vmem>>, vector<1x64xf32>,
    return
  }
  func.func @transform_0(%arg0: i32, %arg1: i32) -> (i32, i32, i32) {
    %c0_i32 = arith.constant 0 : i32
    %c0_i32_0 = arith.constant 0 : i32
    return %arg0, %arg1, %c0_i32 : i32, i32, i32
  }
  func.func @transform_1(%arg0: i32, %arg1: i32) -> (i32, i32, i32) {
    %c0_i32 = arith.constant 0 : i32
    %c0_i32_0 = arith.constant 0 : i32
    return %arg0, %arg1, %c0_i32 : i32, i32, i32
  }
  func.func @transform_2(%arg0: i32, %arg1: i32) -> (i32, i32) {
    %c0_i32 = arith.constant 0 : i32
    %c0_i32_0 = arith.constant 0 : i32
    %c0_i32_1 = arith.constant 0 : i32
    return %c0_i32, %c0_i32_0 : i32, i32
  }
  func.func @transform_3(%arg0: i32, %arg1: i32) -> (i32, i32) {
    %c0_i32 = arith.constant 0 : i32
    %c0_i32_0 = arith.constant 0 : i32
    %c0_i32_1 = arith.constant 0 : i32
    return %c0_i32, %c0_i32_0 : i32, i32
  }
  func.func @transform_4(%arg0: i32, %arg1: i32) -> (i32, i32) {
    %c0_i32 = arith.constant 0 : i32
    %c0_i32_0 = arith.constant 0 : i32
    %c0_i32_1 = arith.constant 0 : i32
    return %c0_i32, %c0_i32_0 : i32, i32
  }
  func.func @transform_5(%arg0: i32, %arg1: i32) -> (i32, i32, i32) {
    %c0_i32 = arith.constant 0 : i32
    %c0_i32_0 = arith.constant 0 : i32
    return %arg0, %arg1, %c0_i32 : i32, i32, i32
  }
  func.func @transform_6(%arg0: i32, %arg1: i32) -> (i32, i32) {
    %c0_i32 = arith.constant 0 : i32
    %c0_i32_0 = arith.constant 0 : i32
    %c0_i32_1 = arith.constant 0 : i32
    return %c0_i32, %c0_i32_0 : i32, i32
  }
}

module attributes {stable_mosaic.version = 14 : i64} {
  func.func @_stats3_body(%arg0: i32, %arg1: i32, %arg2: memref<3x4096x64xbf16, #tpu.memory_space<vmem>>, %arg3: memref<1x64xf32, #tpu.memory_space<vmem>>, %arg4: memref<128x64xbf16, #tpu.memory_space<vmem>>, %arg5: memref<1x128xf32, #tpu.memory_space<vmem>>, %arg6: memref<1x128xf32, #tpu.memory_space<vmem>>) attributes {dimension_semantics = [#tpu.dimension_semantics<arbitrary>, #tpu.dimension_semantics<arbitrary>], iteration_bounds = array<i64: 8, 8>, scalar_prefetch = 0 : i64, scratch_operands = 0 : i64, tpu.core_type = #tpu.core_type<tc>, window_params = [{transform_indices = @transform_0, window_bounds = array<i64: 3, 4096, 64>}, {pipeline_mode = #tpu.pipeline_mode<synchronous>, transform_indices = @transform_1, window_bounds = array<i64: 1, 64>}, {pipeline_mode = #tpu.pipeline_mode<synchronous>, transform_indices = @transform_2, window_bounds = array<i64: 128, 64>}, {pipeline_mode = #tpu.pipeline_mode<synchronous>, transform_indices = @transform_3, window_bounds = array<i64: 1, 128>}, {pipeline_mode = #tpu.pipeline_mode<synchronous>, transform_indices = @transform_4, window_bounds = array<i64: 1, 128>}]} {
    %eq3A = arith.constant 0 : i32
    %eq3A_0 = arith.cmpi eq, %arg0, %eq3A : i32
    %eq3A_1 = arith.constant 0 : i32
    %eq3A_2 = arith.cmpi eq, %arg1, %eq3A_1 : i32
    %and3A = arith.andi %eq3A_0, %eq3A_2 : i1
    %convert_element_type3A = arith.extui %and3A : i1 to i32
    %cond3A = arith.constant 0 : i32
    %cond3A_3 = arith.cmpi ne, %convert_element_type3A, %cond3A : i32
    scf.if %cond3A_3 {
      %broadcast_in_dim3A_95 = arith.constant 0.000000e+00 : f32
      %broadcast_in_dim3A_96 = vector.broadcast %broadcast_in_dim3A_95 : f32 to vector<1x128xf32>
      %swap3A_97 = arith.constant 0 : index
      %swap3A_98 = arith.constant 0 : index
      %swap3A_99 = vector.load %arg6[%swap3A_97, %swap3A_98] : memref<1x128xf32, #tpu.memory_space<vmem>>, vector<1x128xf32>
      tpu.vector_store %arg6[%swap3A_97, %swap3A_98], %broadcast_in_dim3A_96 {strides = array<i32>} : memref<1x128xf32, #tpu.memory_space<vmem>>, vector<1x128xf32>,
    } else {
    }
    %get3A = arith.constant 0 : index
    %get3A_4 = arith.constant 0 : index
    %get3A_5 = vector.load %arg3[%get3A, %get3A_4] : memref<1x64xf32, #tpu.memory_space<vmem>>, vector<1x64xf32>
    %get3A_6 = vector.shape_cast %get3A_5 : vector<1x64xf32> to vector<64xf32>
    %div3A = arith.constant 7.864320e+05 : f32
    %div3A_7 = vector.broadcast %div3A : f32 to vector<64xf32>
    %div3A_8 = arith.divf %get3A_6, %div3A_7 : vector<64xf32>
    %add3A = arith.constant 9.99999974E-6 : f32
    %add3A_9 = vector.broadcast %add3A : f32 to vector<64xf32>
    %add3A_10 = arith.addf %div3A_8, %add3A_9 : vector<64xf32>
    %rsqrt3A = math.rsqrt %add3A_10 : vector<64xf32>
    %get3A_11 = arith.constant 0 : index
    %get3A_12 = arith.constant 0 : index
    %get3A_13 = arith.constant 0 : index
    %get3A_14 = vector.load %arg2[%get3A_11, %get3A_12, %get3A_13] : memref<3x4096x64xbf16, #tpu.memory_space<vmem>>, vector<3x4096x64xbf16>
    %convert_element_type3A_15 = arith.extf %get3A_14 : vector<3x4096x64xbf16> to vector<3x4096x64xf32>
    %reshape3A = vector.shape_cast %convert_element_type3A_15 : vector<3x4096x64xf32> to vector<3x64x64x64xf32>
    %broadcast_in_dim3A = vector.shape_cast %rsqrt3A : vector<64xf32> to vector<1x1x1x64xf32>
    %mul3A = vector.broadcast %broadcast_in_dim3A : vector<1x1x1x64xf32> to vector<3x64x64x64xf32>
    %mul3A_16 = arith.mulf %reshape3A, %mul3A : vector<3x64x64x64xf32>
    %slice3A = vector.extract_strided_slice %mul3A_16 {offsets = [0, 0, 0, 0], sizes = [1, 64, 64, 64], strides = [1, 1, 1, 1]} : vector<3x64x64x64xf32> to vector<1x64x64x64xf32>
    %squeeze3A = vector.shape_cast %slice3A : vector<1x64x64x64xf32> to vector<64x64x64xf32>
    %slice3A_17 = vector.extract_strided_slice %mul3A_16 {offsets = [0, 0, 0, 0], sizes = [1, 64, 64, 64], strides = [1, 1, 1, 1]} : vector<3x64x64x64xf32> to vector<1x64x64x64xf32>
    %squeeze3A_18 = vector.shape_cast %slice3A_17 : vector<1x64x64x64xf32> to vector<64x64x64xf32>
    %mul3A_19 = arith.mulf %squeeze3A, %squeeze3A_18 : vector<64x64x64xf32>
    %slice3A_20 = vector.extract_strided_slice %mul3A_16 {offsets = [1, 0, 0, 0], sizes = [1, 64, 64, 64], strides = [1, 1, 1, 1]} : vector<3x64x64x64xf32> to vector<1x64x64x64xf32>
    %squeeze3A_21 = vector.shape_cast %slice3A_20 : vector<1x64x64x64xf32> to vector<64x64x64xf32>
    %slice3A_22 = vector.extract_strided_slice %mul3A_16 {offsets = [1, 0, 0, 0], sizes = [1, 64, 64, 64], strides = [1, 1, 1, 1]} : vector<3x64x64x64xf32> to vector<1x64x64x64xf32>
    %squeeze3A_23 = vector.shape_cast %slice3A_22 : vector<1x64x64x64xf32> to vector<64x64x64xf32>
    %mul3A_24 = arith.mulf %squeeze3A_21, %squeeze3A_23 : vector<64x64x64xf32>
    %add3A_25 = arith.addf %mul3A_19, %mul3A_24 : vector<64x64x64xf32>
    %slice3A_26 = vector.extract_strided_slice %mul3A_16 {offsets = [2, 0, 0, 0], sizes = [1, 64, 64, 64], strides = [1, 1, 1, 1]} : vector<3x64x64x64xf32> to vector<1x64x64x64xf32>
    %squeeze3A_27 = vector.shape_cast %slice3A_26 : vector<1x64x64x64xf32> to vector<64x64x64xf32>
    %slice3A_28 = vector.extract_strided_slice %mul3A_16 {offsets = [2, 0, 0, 0], sizes = [1, 64, 64, 64], strides = [1, 1, 1, 1]} : vector<3x64x64x64xf32> to vector<1x64x64x64xf32>
    %squeeze3A_29 = vector.shape_cast %slice3A_28 : vector<1x64x64x64xf32> to vector<64x64x64xf32>
    %mul3A_30 = arith.mulf %squeeze3A_27, %squeeze3A_29 : vector<64x64x64xf32>
    %add3A_31 = arith.addf %add3A_25, %mul3A_30 : vector<64x64x64xf32>
    %min3A = arith.constant 1.000000e+00 : f32
    %min3A_32 = vector.broadcast %min3A : f32 to vector<64x64x64xf32>
    %min3A_33 = arith.minimumf %add3A_31, %min3A_32 : vector<64x64x64xf32>
    %sqrt3A = math.sqrt %min3A_33 : vector<64x64x64xf32>
    %broadcast_in_dim3A_34 = vector.shape_cast %sqrt3A : vector<64x64x64xf32> to vector<1x64x64x64xf32>
    %mul3A_35 = vector.broadcast %broadcast_in_dim3A_34 : vector<1x64x64x64xf32> to vector<3x64x64x64xf32>
    %mul3A_36 = arith.mulf %mul3A_16, %mul3A_35 : vector<3x64x64x64xf32>
    %reshape3A_37 = vector.shape_cast %mul3A_36 : vector<3x64x64x64xf32> to vector<3x4096x64xf32>
    %get3A_38 = arith.constant 0 : index
    %get3A_39 = arith.constant 0 : index
    %get3A_40 = vector.load %arg4[%get3A_38, %get3A_39] : memref<128x64xbf16, #tpu.memory_space<vmem>>, vector<128x64xbf16>
    %get3A_41 = arith.constant 0 : index
    %get3A_42 = arith.constant 0 : index
    %get3A_43 = vector.load %arg5[%get3A_41, %get3A_42] : memref<1x128xf32, #tpu.memory_space<vmem>>, vector<1x128xf32>
    %slice3A_44 = vector.extract_strided_slice %reshape3A_37 {offsets = [0, 0, 0], sizes = [1, 4096, 64], strides = [1, 1, 1]} : vector<3x4096x64xf32> to vector<1x4096x64xf32>
    %squeeze3A_45 = vector.shape_cast %slice3A_44 : vector<1x4096x64xf32> to vector<4096x64xf32>
    %convert_element_type3A_46 = arith.truncf %squeeze3A_45 : vector<4096x64xf32> to vector<4096x64xbf16>
    %dot_general3A = arith.constant dense<0.000000e+00> : vector<4096x128xf32>
    %dot_general3A_47 = tpu.matmul %convert_element_type3A_46, %get3A_40, %dot_general3A {dimension_numbers = #tpu.dot_dimension_numbers<[1], [1], [0], [0], [0, 0, 1, 0], [], []>, transpose_lhs_hint = false} : vector<4096x64xbf16>, vector<128x64xbf16>, vector<4096x128xf32> -> vector<4096x128xf32>
    %add3A_48 = vector.broadcast %get3A_43 : vector<1x128xf32> to vector<4096x128xf32>
    %add3A_49 = arith.addf %dot_general3A_47, %add3A_48 : vector<4096x128xf32>
    %get3A_50 = arith.constant 0 : index
    %get3A_51 = arith.constant 0 : index
    %get3A_52 = vector.load %arg6[%get3A_50, %get3A_51] : memref<1x128xf32, #tpu.memory_space<vmem>>, vector<1x128xf32>
    %mul3A_53 = arith.mulf %add3A_49, %add3A_49 : vector<4096x128xf32>
    %reduce_sum3A = arith.constant dense<0.000000e+00> : vector<128xf32>
    %reduce_sum3A_54 = vector.multi_reduction <add>, %mul3A_53, %reduce_sum3A [0] : vector<4096x128xf32> to vector<128xf32>
    %reshape3A_55 = vector.shape_cast %reduce_sum3A_54 : vector<128xf32> to vector<1x128xf32>
    %add3A_56 = arith.addf %get3A_52, %reshape3A_55 : vector<1x128xf32>
    %swap3A = arith.constant 0 : index
    %swap3A_57 = arith.constant 0 : index
    %swap3A_58 = vector.load %arg6[%swap3A, %swap3A_57] : memref<1x128xf32, #tpu.memory_space<vmem>>, vector<1x128xf32>
    tpu.vector_store %arg6[%swap3A, %swap3A_57], %add3A_56 {strides = array<i32>} : memref<1x128xf32, #tpu.memory_space<vmem>>, vector<1x128xf32>,
    %slice3A_59 = vector.extract_strided_slice %reshape3A_37 {offsets = [1, 0, 0], sizes = [1, 4096, 64], strides = [1, 1, 1]} : vector<3x4096x64xf32> to vector<1x4096x64xf32>
    %squeeze3A_60 = vector.shape_cast %slice3A_59 : vector<1x4096x64xf32> to vector<4096x64xf32>
    %convert_element_type3A_61 = arith.truncf %squeeze3A_60 : vector<4096x64xf32> to vector<4096x64xbf16>
    %dot_general3A_62 = arith.constant dense<0.000000e+00> : vector<4096x128xf32>
    %dot_general3A_63 = tpu.matmul %convert_element_type3A_61, %get3A_40, %dot_general3A_62 {dimension_numbers = #tpu.dot_dimension_numbers<[1], [1], [0], [0], [0, 0, 1, 0], [], []>, transpose_lhs_hint = false} : vector<4096x64xbf16>, vector<128x64xbf16>, vector<4096x128xf32> -> vector<4096x128xf32>
    %add3A_64 = vector.broadcast %get3A_43 : vector<1x128xf32> to vector<4096x128xf32>
    %add3A_65 = arith.addf %dot_general3A_63, %add3A_64 : vector<4096x128xf32>
    %get3A_66 = arith.constant 0 : index
    %get3A_67 = arith.constant 0 : index
    %get3A_68 = vector.load %arg6[%get3A_66, %get3A_67] : memref<1x128xf32, #tpu.memory_space<vmem>>, vector<1x128xf32>
    %mul3A_69 = arith.mulf %add3A_65, %add3A_65 : vector<4096x128xf32>
    %reduce_sum3A_70 = arith.constant dense<0.000000e+00> : vector<128xf32>
    %reduce_sum3A_71 = vector.multi_reduction <add>, %mul3A_69, %reduce_sum3A_70 [0] : vector<4096x128xf32> to vector<128xf32>
    %reshape3A_72 = vector.shape_cast %reduce_sum3A_71 : vector<128xf32> to vector<1x128xf32>
    %add3A_73 = arith.addf %get3A_68, %reshape3A_72 : vector<1x128xf32>
    %swap3A_74 = arith.constant 0 : index
    %swap3A_75 = arith.constant 0 : index
    %swap3A_76 = vector.load %arg6[%swap3A_74, %swap3A_75] : memref<1x128xf32, #tpu.memory_space<vmem>>, vector<1x128xf32>
    tpu.vector_store %arg6[%swap3A_74, %swap3A_75], %add3A_73 {strides = array<i32>} : memref<1x128xf32, #tpu.memory_space<vmem>>, vector<1x128xf32>,
    %slice3A_77 = vector.extract_strided_slice %reshape3A_37 {offsets = [2, 0, 0], sizes = [1, 4096, 64], strides = [1, 1, 1]} : vector<3x4096x64xf32> to vector<1x4096x64xf32>
    %squeeze3A_78 = vector.shape_cast %slice3A_77 : vector<1x4096x64xf32> to vector<4096x64xf32>
    %convert_element_type3A_79 = arith.truncf %squeeze3A_78 : vector<4096x64xf32> to vector<4096x64xbf16>
    %dot_general3A_80 = arith.constant dense<0.000000e+00> : vector<4096x128xf32>
    %dot_general3A_81 = tpu.matmul %convert_element_type3A_79, %get3A_40, %dot_general3A_80 {dimension_numbers = #tpu.dot_dimension_numbers<[1], [1], [0], [0], [0, 0, 1, 0], [], []>, transpose_lhs_hint = false} : vector<4096x64xbf16>, vector<128x64xbf16>, vector<4096x128xf32> -> vector<4096x128xf32>
    %add3A_82 = vector.broadcast %get3A_43 : vector<1x128xf32> to vector<4096x128xf32>
    %add3A_83 = arith.addf %dot_general3A_81, %add3A_82 : vector<4096x128xf32>
    %get3A_84 = arith.constant 0 : index
    %get3A_85 = arith.constant 0 : index
    %get3A_86 = vector.load %arg6[%get3A_84, %get3A_85] : memref<1x128xf32, #tpu.memory_space<vmem>>, vector<1x128xf32>
    %mul3A_87 = arith.mulf %add3A_83, %add3A_83 : vector<4096x128xf32>
    %reduce_sum3A_88 = arith.constant dense<0.000000e+00> : vector<128xf32>
    %reduce_sum3A_89 = vector.multi_reduction <add>, %mul3A_87, %reduce_sum3A_88 [0] : vector<4096x128xf32> to vector<128xf32>
    %reshape3A_90 = vector.shape_cast %reduce_sum3A_89 : vector<128xf32> to vector<1x128xf32>
    %add3A_91 = arith.addf %get3A_86, %reshape3A_90 : vector<1x128xf32>
    %swap3A_92 = arith.constant 0 : index
    %swap3A_93 = arith.constant 0 : index
    %swap3A_94 = vector.load %arg6[%swap3A_92, %swap3A_93] : memref<1x128xf32, #tpu.memory_space<vmem>>, vector<1x128xf32>
    tpu.vector_store %arg6[%swap3A_92, %swap3A_93], %add3A_91 {strides = array<i32>} : memref<1x128xf32, #tpu.memory_space<vmem>>, vector<1x128xf32>,
    return
  }
  func.func @transform_0(%arg0: i32, %arg1: i32) -> (i32, i32, i32) {
    %c0_i32 = arith.constant 0 : i32
    %c0_i32_0 = arith.constant 0 : i32
    return %arg0, %arg1, %c0_i32 : i32, i32, i32
  }
  func.func @transform_1(%arg0: i32, %arg1: i32) -> (i32, i32) {
    %c0_i32 = arith.constant 0 : i32
    %c0_i32_0 = arith.constant 0 : i32
    %c0_i32_1 = arith.constant 0 : i32
    return %c0_i32, %c0_i32_0 : i32, i32
  }
  func.func @transform_2(%arg0: i32, %arg1: i32) -> (i32, i32) {
    %c0_i32 = arith.constant 0 : i32
    %c0_i32_0 = arith.constant 0 : i32
    %c0_i32_1 = arith.constant 0 : i32
    return %c0_i32, %c0_i32_0 : i32, i32
  }
  func.func @transform_3(%arg0: i32, %arg1: i32) -> (i32, i32) {
    %c0_i32 = arith.constant 0 : i32
    %c0_i32_0 = arith.constant 0 : i32
    %c0_i32_1 = arith.constant 0 : i32
    return %c0_i32, %c0_i32_0 : i32, i32
  }
  func.func @transform_4(%arg0: i32, %arg1: i32) -> (i32, i32) {
    %c0_i32 = arith.constant 0 : i32
    %c0_i32_0 = arith.constant 0 : i32
    %c0_i32_1 = arith.constant 0 : i32
    return %c0_i32, %c0_i32_0 : i32, i32
  }
}

module attributes {stable_mosaic.version = 14 : i64} {
  func.func @_final_body(%arg0: i32, %arg1: i32, %arg2: memref<3x4096x64xbf16, #tpu.memory_space<vmem>>, %arg3: memref<1x64xf32, #tpu.memory_space<vmem>>, %arg4: memref<1x128xf32, #tpu.memory_space<vmem>>, %arg5: memref<128x64xbf16, #tpu.memory_space<vmem>>, %arg6: memref<1x128xf32, #tpu.memory_space<vmem>>, %arg7: memref<3x64x128xf32, #tpu.memory_space<vmem>>) attributes {dimension_semantics = [#tpu.dimension_semantics<arbitrary>, #tpu.dimension_semantics<arbitrary>], iteration_bounds = array<i64: 8, 8>, scalar_prefetch = 0 : i64, scratch_operands = 0 : i64, tpu.core_type = #tpu.core_type<tc>, window_params = [{transform_indices = @transform_0, window_bounds = array<i64: 3, 4096, 64>}, {pipeline_mode = #tpu.pipeline_mode<synchronous>, transform_indices = @transform_1, window_bounds = array<i64: 1, 64>}, {pipeline_mode = #tpu.pipeline_mode<synchronous>, transform_indices = @transform_2, window_bounds = array<i64: 1, 128>}, {pipeline_mode = #tpu.pipeline_mode<synchronous>, transform_indices = @transform_3, window_bounds = array<i64: 128, 64>}, {pipeline_mode = #tpu.pipeline_mode<synchronous>, transform_indices = @transform_4, window_bounds = array<i64: 1, 128>}, {transform_indices = @transform_5, window_bounds = array<i64: 3, 64, 128>}]} {
    %get3A = arith.constant 0 : index
    %get3A_0 = arith.constant 0 : index
    %get3A_1 = vector.load %arg3[%get3A, %get3A_0] : memref<1x64xf32, #tpu.memory_space<vmem>>, vector<1x64xf32>
    %get3A_2 = vector.shape_cast %get3A_1 : vector<1x64xf32> to vector<64xf32>
    %div3A = arith.constant 7.864320e+05 : f32
    %div3A_3 = vector.broadcast %div3A : f32 to vector<64xf32>
    %div3A_4 = arith.divf %get3A_2, %div3A_3 : vector<64xf32>
    %add3A = arith.constant 9.99999974E-6 : f32
    %add3A_5 = vector.broadcast %add3A : f32 to vector<64xf32>
    %add3A_6 = arith.addf %div3A_4, %add3A_5 : vector<64xf32>
    %rsqrt3A = math.rsqrt %add3A_6 : vector<64xf32>
    %get3A_7 = arith.constant 0 : index
    %get3A_8 = arith.constant 0 : index
    %get3A_9 = vector.load %arg4[%get3A_7, %get3A_8] : memref<1x128xf32, #tpu.memory_space<vmem>>, vector<1x128xf32>
    %get3A_10 = vector.shape_cast %get3A_9 : vector<1x128xf32> to vector<128xf32>
    %div3A_11 = arith.constant 7.864320e+05 : f32
    %div3A_12 = vector.broadcast %div3A_11 : f32 to vector<128xf32>
    %div3A_13 = arith.divf %get3A_10, %div3A_12 : vector<128xf32>
    %add3A_14 = arith.constant 9.99999974E-6 : f32
    %add3A_15 = vector.broadcast %add3A_14 : f32 to vector<128xf32>
    %add3A_16 = arith.addf %div3A_13, %add3A_15 : vector<128xf32>
    %rsqrt3A_17 = math.rsqrt %add3A_16 : vector<128xf32>
    %get3A_18 = arith.constant 0 : index
    %get3A_19 = arith.constant 0 : index
    %get3A_20 = arith.constant 0 : index
    %get3A_21 = vector.load %arg2[%get3A_18, %get3A_19, %get3A_20] : memref<3x4096x64xbf16, #tpu.memory_space<vmem>>, vector<3x4096x64xbf16>
    %convert_element_type3A = arith.extf %get3A_21 : vector<3x4096x64xbf16> to vector<3x4096x64xf32>
    %reshape3A = vector.shape_cast %convert_element_type3A : vector<3x4096x64xf32> to vector<3x64x64x64xf32>
    %broadcast_in_dim3A = vector.shape_cast %rsqrt3A : vector<64xf32> to vector<1x1x1x64xf32>
    %mul3A = vector.broadcast %broadcast_in_dim3A : vector<1x1x1x64xf32> to vector<3x64x64x64xf32>
    %mul3A_22 = arith.mulf %reshape3A, %mul3A : vector<3x64x64x64xf32>
    %slice3A = vector.extract_strided_slice %mul3A_22 {offsets = [0, 0, 0, 0], sizes = [1, 64, 64, 64], strides = [1, 1, 1, 1]} : vector<3x64x64x64xf32> to vector<1x64x64x64xf32>
    %squeeze3A = vector.shape_cast %slice3A : vector<1x64x64x64xf32> to vector<64x64x64xf32>
    %slice3A_23 = vector.extract_strided_slice %mul3A_22 {offsets = [0, 0, 0, 0], sizes = [1, 64, 64, 64], strides = [1, 1, 1, 1]} : vector<3x64x64x64xf32> to vector<1x64x64x64xf32>
    %squeeze3A_24 = vector.shape_cast %slice3A_23 : vector<1x64x64x64xf32> to vector<64x64x64xf32>
    %mul3A_25 = arith.mulf %squeeze3A, %squeeze3A_24 : vector<64x64x64xf32>
    %slice3A_26 = vector.extract_strided_slice %mul3A_22 {offsets = [1, 0, 0, 0], sizes = [1, 64, 64, 64], strides = [1, 1, 1, 1]} : vector<3x64x64x64xf32> to vector<1x64x64x64xf32>
    %squeeze3A_27 = vector.shape_cast %slice3A_26 : vector<1x64x64x64xf32> to vector<64x64x64xf32>
    %slice3A_28 = vector.extract_strided_slice %mul3A_22 {offsets = [1, 0, 0, 0], sizes = [1, 64, 64, 64], strides = [1, 1, 1, 1]} : vector<3x64x64x64xf32> to vector<1x64x64x64xf32>
    %squeeze3A_29 = vector.shape_cast %slice3A_28 : vector<1x64x64x64xf32> to vector<64x64x64xf32>
    %mul3A_30 = arith.mulf %squeeze3A_27, %squeeze3A_29 : vector<64x64x64xf32>
    %add3A_31 = arith.addf %mul3A_25, %mul3A_30 : vector<64x64x64xf32>
    %slice3A_32 = vector.extract_strided_slice %mul3A_22 {offsets = [2, 0, 0, 0], sizes = [1, 64, 64, 64], strides = [1, 1, 1, 1]} : vector<3x64x64x64xf32> to vector<1x64x64x64xf32>
    %squeeze3A_33 = vector.shape_cast %slice3A_32 : vector<1x64x64x64xf32> to vector<64x64x64xf32>
    %slice3A_34 = vector.extract_strided_slice %mul3A_22 {offsets = [2, 0, 0, 0], sizes = [1, 64, 64, 64], strides = [1, 1, 1, 1]} : vector<3x64x64x64xf32> to vector<1x64x64x64xf32>
    %squeeze3A_35 = vector.shape_cast %slice3A_34 : vector<1x64x64x64xf32> to vector<64x64x64xf32>
    %mul3A_36 = arith.mulf %squeeze3A_33, %squeeze3A_35 : vector<64x64x64xf32>
    %add3A_37 = arith.addf %add3A_31, %mul3A_36 : vector<64x64x64xf32>
    %min3A = arith.constant 1.000000e+00 : f32
    %min3A_38 = vector.broadcast %min3A : f32 to vector<64x64x64xf32>
    %min3A_39 = arith.minimumf %add3A_37, %min3A_38 : vector<64x64x64xf32>
    %sqrt3A = math.sqrt %min3A_39 : vector<64x64x64xf32>
    %broadcast_in_dim3A_40 = vector.shape_cast %sqrt3A : vector<64x64x64xf32> to vector<1x64x64x64xf32>
    %mul3A_41 = vector.broadcast %broadcast_in_dim3A_40 : vector<1x64x64x64xf32> to vector<3x64x64x64xf32>
    %mul3A_42 = arith.mulf %mul3A_22, %mul3A_41 : vector<3x64x64x64xf32>
    %reshape3A_43 = vector.shape_cast %mul3A_42 : vector<3x64x64x64xf32> to vector<3x4096x64xf32>
    %get3A_44 = arith.constant 0 : index
    %get3A_45 = arith.constant 0 : index
    %get3A_46 = vector.load %arg5[%get3A_44, %get3A_45] : memref<128x64xbf16, #tpu.memory_space<vmem>>, vector<128x64xbf16>
    %get3A_47 = arith.constant 0 : index
    %get3A_48 = arith.constant 0 : index
    %get3A_49 = vector.load %arg6[%get3A_47, %get3A_48] : memref<1x128xf32, #tpu.memory_space<vmem>>, vector<1x128xf32>
    %slice3A_50 = vector.extract_strided_slice %reshape3A_43 {offsets = [0, 0, 0], sizes = [1, 4096, 64], strides = [1, 1, 1]} : vector<3x4096x64xf32> to vector<1x4096x64xf32>
    %squeeze3A_51 = vector.shape_cast %slice3A_50 : vector<1x4096x64xf32> to vector<4096x64xf32>
    %convert_element_type3A_52 = arith.truncf %squeeze3A_51 : vector<4096x64xf32> to vector<4096x64xbf16>
    %dot_general3A = arith.constant dense<0.000000e+00> : vector<4096x128xf32>
    %dot_general3A_53 = tpu.matmul %convert_element_type3A_52, %get3A_46, %dot_general3A {dimension_numbers = #tpu.dot_dimension_numbers<[1], [1], [0], [0], [0, 0, 1, 0], [], []>, transpose_lhs_hint = false} : vector<4096x64xbf16>, vector<128x64xbf16>, vector<4096x128xf32> -> vector<4096x128xf32>
    %add3A_54 = vector.broadcast %get3A_49 : vector<1x128xf32> to vector<4096x128xf32>
    %add3A_55 = arith.addf %dot_general3A_53, %add3A_54 : vector<4096x128xf32>
    %reshape3A_56 = vector.shape_cast %add3A_55 : vector<4096x128xf32> to vector<64x64x128xf32>
    %slice3A_57 = vector.extract_strided_slice %reshape3A_43 {offsets = [1, 0, 0], sizes = [1, 4096, 64], strides = [1, 1, 1]} : vector<3x4096x64xf32> to vector<1x4096x64xf32>
    %squeeze3A_58 = vector.shape_cast %slice3A_57 : vector<1x4096x64xf32> to vector<4096x64xf32>
    %convert_element_type3A_59 = arith.truncf %squeeze3A_58 : vector<4096x64xf32> to vector<4096x64xbf16>
    %dot_general3A_60 = arith.constant dense<0.000000e+00> : vector<4096x128xf32>
    %dot_general3A_61 = tpu.matmul %convert_element_type3A_59, %get3A_46, %dot_general3A_60 {dimension_numbers = #tpu.dot_dimension_numbers<[1], [1], [0], [0], [0, 0, 1, 0], [], []>, transpose_lhs_hint = false} : vector<4096x64xbf16>, vector<128x64xbf16>, vector<4096x128xf32> -> vector<4096x128xf32>
    %add3A_62 = vector.broadcast %get3A_49 : vector<1x128xf32> to vector<4096x128xf32>
    %add3A_63 = arith.addf %dot_general3A_61, %add3A_62 : vector<4096x128xf32>
    %reshape3A_64 = vector.shape_cast %add3A_63 : vector<4096x128xf32> to vector<64x64x128xf32>
    %slice3A_65 = vector.extract_strided_slice %reshape3A_43 {offsets = [2, 0, 0], sizes = [1, 4096, 64], strides = [1, 1, 1]} : vector<3x4096x64xf32> to vector<1x4096x64xf32>
    %squeeze3A_66 = vector.shape_cast %slice3A_65 : vector<1x4096x64xf32> to vector<4096x64xf32>
    %convert_element_type3A_67 = arith.truncf %squeeze3A_66 : vector<4096x64xf32> to vector<4096x64xbf16>
    %dot_general3A_68 = arith.constant dense<0.000000e+00> : vector<4096x128xf32>
    %dot_general3A_69 = tpu.matmul %convert_element_type3A_67, %get3A_46, %dot_general3A_68 {dimension_numbers = #tpu.dot_dimension_numbers<[1], [1], [0], [0], [0, 0, 1, 0], [], []>, transpose_lhs_hint = false} : vector<4096x64xbf16>, vector<128x64xbf16>, vector<4096x128xf32> -> vector<4096x128xf32>
    %add3A_70 = vector.broadcast %get3A_49 : vector<1x128xf32> to vector<4096x128xf32>
    %add3A_71 = arith.addf %dot_general3A_69, %add3A_70 : vector<4096x128xf32>
    %reshape3A_72 = vector.shape_cast %add3A_71 : vector<4096x128xf32> to vector<64x64x128xf32>
    %stack3A = vector.shape_cast %reshape3A_56 : vector<64x64x128xf32> to vector<1x64x64x128xf32>
    %stack3A_73 = vector.shape_cast %reshape3A_64 : vector<64x64x128xf32> to vector<1x64x64x128xf32>
    %stack3A_74 = vector.shape_cast %reshape3A_72 : vector<64x64x128xf32> to vector<1x64x64x128xf32>
    %stack3A_75 = tpu.concatenate %stack3A, %stack3A_73, %stack3A_74 in 0 : vector<1x64x64x128xf32>, vector<1x64x64x128xf32>, vector<1x64x64x128xf32> -> vector<3x64x64x128xf32>
    %broadcast_in_dim3A_76 = vector.shape_cast %rsqrt3A_17 : vector<128xf32> to vector<1x1x1x128xf32>
    %mul3A_77 = vector.broadcast %broadcast_in_dim3A_76 : vector<1x1x1x128xf32> to vector<3x64x64x128xf32>
    %mul3A_78 = arith.mulf %stack3A_75, %mul3A_77 : vector<3x64x64x128xf32>
    %slice3A_79 = vector.extract_strided_slice %mul3A_78 {offsets = [0, 0, 0, 0], sizes = [1, 64, 64, 128], strides = [1, 1, 1, 1]} : vector<3x64x64x128xf32> to vector<1x64x64x128xf32>
    %squeeze3A_80 = vector.shape_cast %slice3A_79 : vector<1x64x64x128xf32> to vector<64x64x128xf32>
    %slice3A_81 = vector.extract_strided_slice %mul3A_78 {offsets = [0, 0, 0, 0], sizes = [1, 64, 64, 128], strides = [1, 1, 1, 1]} : vector<3x64x64x128xf32> to vector<1x64x64x128xf32>
    %squeeze3A_82 = vector.shape_cast %slice3A_81 : vector<1x64x64x128xf32> to vector<64x64x128xf32>
    %mul3A_83 = arith.mulf %squeeze3A_80, %squeeze3A_82 : vector<64x64x128xf32>
    %slice3A_84 = vector.extract_strided_slice %mul3A_78 {offsets = [1, 0, 0, 0], sizes = [1, 64, 64, 128], strides = [1, 1, 1, 1]} : vector<3x64x64x128xf32> to vector<1x64x64x128xf32>
    %squeeze3A_85 = vector.shape_cast %slice3A_84 : vector<1x64x64x128xf32> to vector<64x64x128xf32>
    %slice3A_86 = vector.extract_strided_slice %mul3A_78 {offsets = [1, 0, 0, 0], sizes = [1, 64, 64, 128], strides = [1, 1, 1, 1]} : vector<3x64x64x128xf32> to vector<1x64x64x128xf32>
    %squeeze3A_87 = vector.shape_cast %slice3A_86 : vector<1x64x64x128xf32> to vector<64x64x128xf32>
    %mul3A_88 = arith.mulf %squeeze3A_85, %squeeze3A_87 : vector<64x64x128xf32>
    %add3A_89 = arith.addf %mul3A_83, %mul3A_88 : vector<64x64x128xf32>
    %slice3A_90 = vector.extract_strided_slice %mul3A_78 {offsets = [2, 0, 0, 0], sizes = [1, 64, 64, 128], strides = [1, 1, 1, 1]} : vector<3x64x64x128xf32> to vector<1x64x64x128xf32>
    %squeeze3A_91 = vector.shape_cast %slice3A_90 : vector<1x64x64x128xf32> to vector<64x64x128xf32>
    %slice3A_92 = vector.extract_strided_slice %mul3A_78 {offsets = [2, 0, 0, 0], sizes = [1, 64, 64, 128], strides = [1, 1, 1, 1]} : vector<3x64x64x128xf32> to vector<1x64x64x128xf32>
    %squeeze3A_93 = vector.shape_cast %slice3A_92 : vector<1x64x64x128xf32> to vector<64x64x128xf32>
    %mul3A_94 = arith.mulf %squeeze3A_91, %squeeze3A_93 : vector<64x64x128xf32>
    %add3A_95 = arith.addf %add3A_89, %mul3A_94 : vector<64x64x128xf32>
    %min3A_96 = arith.constant 1.000000e+00 : f32
    %min3A_97 = vector.broadcast %min3A_96 : f32 to vector<64x64x128xf32>
    %min3A_98 = arith.minimumf %add3A_95, %min3A_97 : vector<64x64x128xf32>
    %sqrt3A_99 = math.sqrt %min3A_98 : vector<64x64x128xf32>
    %broadcast_in_dim3A_100 = vector.shape_cast %sqrt3A_99 : vector<64x64x128xf32> to vector<1x64x64x128xf32>
    %mul3A_101 = vector.broadcast %broadcast_in_dim3A_100 : vector<1x64x64x128xf32> to vector<3x64x64x128xf32>
    %mul3A_102 = arith.mulf %mul3A_78, %mul3A_101 : vector<3x64x64x128xf32>
    %reduce_max3A = arith.constant dense<0xFF800000> : vector<3x64x128xf32>
    %reduce_max3A_103 = vector.multi_reduction <maximumf>, %mul3A_102, %reduce_max3A [2] : vector<3x64x64x128xf32> to vector<3x64x128xf32>
    %swap3A = arith.constant 0 : index
    %swap3A_104 = arith.constant 0 : index
    %swap3A_105 = arith.constant 0 : index
    %swap3A_106 = vector.load %arg7[%swap3A, %swap3A_104, %swap3A_105] : memref<3x64x128xf32, #tpu.memory_space<vmem>>, vector<3x64x128xf32>
    tpu.vector_store %arg7[%swap3A, %swap3A_104, %swap3A_105], %reduce_max3A_103 {strides = array<i32>} : memref<3x64x128xf32, #tpu.memory_space<vmem>>, vector<3x64x128xf32>,
    return
  }
  func.func @transform_0(%arg0: i32, %arg1: i32) -> (i32, i32, i32) {
    %c0_i32 = arith.constant 0 : i32
    %c0_i32_0 = arith.constant 0 : i32
    return %arg0, %arg1, %c0_i32 : i32, i32, i32
  }
  func.func @transform_1(%arg0: i32, %arg1: i32) -> (i32, i32) {
    %c0_i32 = arith.constant 0 : i32
    %c0_i32_0 = arith.constant 0 : i32
    %c0_i32_1 = arith.constant 0 : i32
    return %c0_i32, %c0_i32_0 : i32, i32
  }
  func.func @transform_2(%arg0: i32, %arg1: i32) -> (i32, i32) {
    %c0_i32 = arith.constant 0 : i32
    %c0_i32_0 = arith.constant 0 : i32
    %c0_i32_1 = arith.constant 0 : i32
    return %c0_i32, %c0_i32_0 : i32, i32
  }
  func.func @transform_3(%arg0: i32, %arg1: i32) -> (i32, i32) {
    %c0_i32 = arith.constant 0 : i32
    %c0_i32_0 = arith.constant 0 : i32
    %c0_i32_1 = arith.constant 0 : i32
    return %c0_i32, %c0_i32_0 : i32, i32
  }
  func.func @transform_4(%arg0: i32, %arg1: i32) -> (i32, i32) {
    %c0_i32 = arith.constant 0 : i32
    %c0_i32_0 = arith.constant 0 : i32
    %c0_i32_1 = arith.constant 0 : i32
    return %c0_i32, %c0_i32_0 : i32, i32
  }
  func.func @transform_5(%arg0: i32, %arg1: i32) -> (i32, i32, i32) {
    %c0_i32 = arith.constant 0 : i32
    %c0_i32_0 = arith.constant 0 : i32
    return %arg0, %arg1, %c0_i32 : i32, i32, i32
  }
}

</mosaic_0001>

<sc_bundles>
// kernel: kernel.11.cloned.1.call-start
scs
__scs_entry_jumppad:
0x0: {  	(pc) =	sbr.rel $0x88, $3  }
0x1: {  	(tag) =	ssettag $0x0;
	lr =	simm.s32 $0x1  }
0x2: {  	[smem:$0x3F99] =	sst lr;
	_ =	strace $0xD0000000  }
0x3: {  	_ = 	snop  }
0x4: {  	_ = 	snop  }
0x5: {  	_ = 	snop  }
0x6: {  	_ = 	snop  }
0x7: {  	_ = 	snop  }
__scs_overlays_trampoline_lowered:
0x8: {  	[smem:$0x3FA8] =	sst s0  }
0x9: {  	[smem:$0x3FA9] =	sst s1  }
0xa: {  	[smem:$0x3FAA] =	sst s2  }
0xb: {  	[smem:$0x3FAB] =	sst s3  }
0xc: {  	[smem:$0x3FAC] =	sst s4  }
0xd: {  	[smem:$0x3FAD] =	sst s5  }
0xe: {  	[smem:$0x3FAE] =	sst s6  }
0xf: {  	[smem:$0x3FAF] =	sst s7  }
0x10: {  	[smem:$0x3FB0] =	sst s8  }
0x11: {  	[smem:$0x3FB1] =	sst s9;
	s0 =	simm.s32 @!p0 $0x0  }
0x12: {  	s1 =	sld [smem:$0x3F97];
	s0 =	simm.s32 @p0 $0x1  }
0x13: {  	[smem:$0x3FB2] =	sst s0;
	s0 =	simm.s32 @!p1 $0x0  }
0x14: {  	s2 =	sld [smem:$0x3F96];
	s0 =	simm.s32 @p1 $0x1  }
0x15: {  	[smem:$0x3FB3] =	sst s0;
	s0 =	simm.s32 @!p2 $0x0  }
0x16: {  	s3 =	sld [smem:$0x3FDB];
	s0 =	simm.s32 @p2 $0x1  }
0x17: {  	s4 =	simm.s32 $0x1BF5;
	[smem:$0x3FB5] =	sst s0  }
0x18: {  	s0 =	sld [smem:$0x3F98];
	_ =	swait.ge [sflag:s4], $0x0  }
0x19: {  	s7 =	sld [smem:$0x3F99]  }
0x1a: {  	s8 =	sadd.s32 $0xFFFFE003, lr  }
0x1b: {  	s9 =	sadd.s32 $0xFFFFFEF7, lr;
	s5 =	simm.s32 $0xFFFFFFFF;
	p2 =	slt.u32 s8, $0xFFFFF086  }
0x1c: {  	p1 =	slt.u32 s9, $0xF7A;
	s5 =	simm.s32 @!p2 $0x0  }
0x1d: {  	s5 =	simm.s32 @p1 $0x1;
	p0 =	seq.s32 s7, s2  }
0x1e: {  	s7 =	smul.u32 @!p0 $0xF7A, s2;
	p2 =	seq.s32 @!p0 s5, $0x0  }
0x1f: {  	s9 =	smul.u32 $0xF7A, s1;
	s8 =	simm.s32 @!p0 $0x1BF5;
	p2 =	por !p2, p0  }
0x20: {  	[sflag:s8] =	ssyncset.s32 @!p0 $0xFFFFF086;
	s6 =	sadd.s32 @!p0 s3, s7;
	s7 =	simm.s32 @!p0 $0x108  }
0x21: {  	s3 =	sadd.s32 s3, s9;
	s6 =	sadd.s32 @!p0 $0x88, s6;
	s7 =	simm.s32 @p2 $0x1082  }
0x22: {  	[simem:s7], [sflag:s8] =	dma.local @!p0 [hbm:s6], $0xF7A  }
0x23: {  	s9 =	sor.u32 $0xD0000000, s2;
	s6 =	simm.s32 $0x108;
	_ =	swait.ge @!p0 [sflag:s8], $0x0  }
0x24: {  	s3 =	sadd.s32 $0x88, s3;
	s6 =	simm.s32 @!p1 $0x1082;
	[sflag:s4] =	ssyncset.s32 $0xFFFFF086  }
0x25: {  	[simem:s6], [sflag:s4] =	dma.local [hbm:s3], $0xF7A  }
0x26: {  	[smem:$0x3F99] =	sst s1;
	(tag) =	ssettag s2;
	_ =	strace s9  }
0x27: {  	s1 =	sld [smem:$0x3FA9]  }
0x28: {  	s2 =	sld [smem:$0x3FAA]  }
0x29: {  	s4 =	sld [smem:$0x3FAC]  }
0x2a: {  	p0 =	seq.s32 s5, $0x0;
	s5 =	sld [smem:$0x3FAD]  }
0x2b: {  	s6 =	sld [smem:$0x3FAE]  }
0x2c: {  	s7 =	sld [smem:$0x3FAF]  }
0x2d: {  	s3 =	simm.s32 $0x108;
	s8 =	sld [smem:$0x3FB0]  }
0x2e: {  	s3 =	simm.s32 @!p0 $0x1082;
	s9 =	sld [smem:$0x3FB1]  }
0x2f: {  	lr =	sadd.s32 s0, s3;
	s0 =	sld [smem:$0x3FA8]  }
0x30: {  	s3 =	sld [smem:$0x3FAB]  }
0x31: {  	[smem:$0x3FB4] =	sst s10  }
0x32: {  	s10 =	sld [smem:$0x3FB2];
	_ =	sdelay $0x3  }
0x33: {  	p0 =	seq.s32 s10, $0x1;
	s10 =	sld [smem:$0x3FB4];
	_ =	sdelay $0x3  }
0x34: {  	[smem:$0x3FB4] =	sst s10  }
0x35: {  	s10 =	sld [smem:$0x3FB3];
	_ =	sdelay $0x3  }
0x36: {  	p1 =	seq.s32 s10, $0x1;
	s10 =	sld [smem:$0x3FB4];
	_ =	sdelay $0x3  }
0x37: {  	[smem:$0x3FB4] =	sst s10  }
0x38: {  	s10 =	sld [smem:$0x3FB5]  }
0x39: {  	_ = 	snop;
	(pc) =	sbr.ind lr, $3  }
0x3a: {  	_ = 	snop  }
0x3b: {  	_ = 	snop  }
0x3c: {  	p2 =	seq.s32 s10, $0x1;
	s10 =	sld [smem:$0x3FB4]  }
0x3d: {  	_ =	shalt  }
0x3e: {  	_ =	shalt  }
0x3f: {  	_ =	shalt  }
0x40: {  	_ =	shalt  }
0x41: {  	_ =	shalt  }
0x42: {  	_ =	shalt  }
0x43: {  	_ =	shalt  }
0x44: {  	_ =	shalt  }
0x45: {  	_ =	shalt  }
0x46: {  	_ =	shalt  }
0x47: {  	_ =	shalt  }
0x48: {  	_ =	shalt  }
0x49: {  	_ =	shalt  }
0x4a: {  	_ =	shalt  }
0x4b: {  	_ =	shalt  }
0x4c: {  	_ =	shalt  }
0x4d: {  	_ =	shalt  }
0x4e: {  	_ =	shalt  }
0x4f: {  	_ =	shalt  }
0x50: {  	_ =	shalt  }
0x51: {  	_ =	shalt  }
0x52: {  	_ =	shalt  }
0x53: {  	_ =	shalt  }
0x54: {  	_ =	shalt  }
0x55: {  	_ =	shalt  }
0x56: {  	_ =	shalt  }
0x57: {  	_ =	shalt  }
0x58: {  	_ =	shalt  }
0x59: {  	_ =	shalt  }
0x5a: {  	_ =	shalt  }
0x5b: {  	_ =	shalt  }
0x5c: {  	_ =	shalt  }
0x5d: {  	_ =	shalt  }
0x5e: {  	_ =	shalt  }
0x5f: {  	_ =	shalt  }
0x60: {  	_ =	shalt  }
0x61: {  	_ =	shalt  }
0x62: {  	_ =	shalt  }
0x63: {  	_ =	shalt  }
0x64: {  	_ =	shalt  }
0x65: {  	_ =	shalt  }
0x66: {  	_ =	shalt  }
0x67: {  	_ =	shalt  }
0x68: {  	_ =	shalt  }
0x69: {  	_ =	shalt  }
0x6a: {  	_ =	shalt  }
0x6b: {  	_ =	shalt  }
0x6c: {  	_ =	shalt  }
0x6d: {  	_ =	shalt  }
0x6e: {  	_ =	shalt  }
0x6f: {  	_ =	shalt  }
0x70: {  	_ =	shalt  }
0x71: {  	_ =	shalt  }
0x72: {  	_ =	shalt  }
0x73: {  	_ =	shalt  }
0x74: {  	_ =	shalt  }
0x75: {  	_ =	shalt  }
0x76: {  	_ =	shalt  }
0x77: {  	_ =	shalt  }
0x78: {  	_ =	shalt  }
0x79: {  	_ =	shalt  }
0x7a: {  	_ =	shalt  }
0x7b: {  	_ =	shalt  }
0x7c: {  	_ =	shalt  }
0x7d: {  	_ =	shalt  }
0x7e: {  	_ =	shalt  }
0x7f: {  	_ =	shalt  }
0x80: {  	_ =	shalt  }
0x81: {  	_ =	shalt  }
0x82: {  	_ =	shalt  }
0x83: {  	_ =	shalt  }
0x84: {  	_ =	shalt  }
0x85: {  	_ =	shalt  }
0x86: {  	_ =	shalt  }
0x87: {  	_ =	shalt  }
.Lfunc_end0:
.L_simem_size_0:
called_computation_lowered:
.L_overlay_start_0:
0x88: {  	s2 =	sld [smem:$0x3FD9]  }
0x89: {  	s3 =	sld [smem:$0x3FFE];
	_ =	sdelay $0x1  }
0x8a: {  	s1 =	srdreg.scid  }
0x8b: {  	s0 =	sand.u32 $0x1, s1  }
0x8c: {  	s16 =	sshll.u32 s0, $0xA;
	s2 =	sadd.s32 s3, s2  }
0x8d: {  	s2 =	sadd.s32 s2, s16  }
0x8e: {  	[smem:$0x3FC0] =	sst s2  }
0x8f: {  	_ = 	snop  }
0x90: {  	(tm) =	ssettm $0x1  }
0x91: {  	s17 =	sld [smem:$0x3FFB];
	_ =	sdelay $0x3  }
0x92: {  	_ =	strace s17  }
0x93: {  	s2 =	sld [smem:$0x3FFC];
	_ =	sdelay $0x3  }
0x94: {  	_ =	strace s2  }
0x95: {  	s2 =	sld [smem:$0x3FFD];
	_ =	sdelay $0x3  }
0x96: {  	_ =	strace s2  }
0x97: {  	_ =	strace $0x8FFFFFFF  }
0x98: {  	s18 =	sld [smem:$0x3FDB];
	_ =	sdelay $0x1  }
0x99: {  	s19 =	simm.s32 $_scs_section_size  }
0x9a: {  	s4 =	simm.s32 $_size__tile_overlayer_lowered;
	s5 =	simm.s32 $_tile_overlayer_lowered  }
0x9b: {  	s22 =	simm.s32 $0x1BFF;
	s21 =	sshll.u32 s5, $0x1;
	s2 =	sadd.s32 s19, s18  }
0x9c: {  	s6 =	simm.s32 $0x0;
	s20 =	sshll.u32 s4, $0x1;
	s4 =	sadd.s32 s21, s2  }
0x9d: {  	[timem:s6], [sflag:s22] =	dma.local [hbm:s4], s20  }
0x9e: {  	_ =	swait.ge [sflag:s22], s20  }
0x9f: {  	s3 =	ssub.s32 $0x0, s20;
	[sflag:s22] =	ssyncset.done $0x0  }
0xa0: {  	[sflag:s22] =	ssyncadd.s32 s3;
	_ =	sdelay $0x1  }
0xa1: {  	s23 =	simm.s32 $0x1B8B  }
0xa2: {  	_ =	swait.ge [sflag:s23], $0x1  }
0xa3: {  	[sflag:s23] =	ssyncset.done $0x0  }
0xa4: {  	s25 =	simm.s32 $0x1B8E;
	s24 =	sld [smem:$0x3FFE];
	[sflag:s23] =	ssyncadd.s32 $0xFFFFFFFF  }
0xa5: {  	s26 =	simm.s32 $execute0_lowered;
	[smem:$0x3FD2] =	sst s25  }
0xa6: {  	s4 =	sshll.u32 s26, $0x1;
	_ =	strace $0x80000046;
	[dreg:$0x1] =	wrdreg $0xFFFFFFFF  }
0xa7: {  	s28 =	simm.s32 $_size_execute0_lowered;
	s2 =	sadd.s32 s2, s4;
	[dreg:$0x0] =	wrdreg $0x0  }
0xa8: {  	s4 =	sshll.u32 s28, $0x1;
	[dreg:$0x2] =	wrdreg s2  }
0xa9: {  	[dreg:$0x3] =	wrdreg s4  }
0xaa: {  	[dreg:$0x4] =	wrdreg $0xC0  }
0xab: {  	_ =	task [dreg:s6], $0x5FFFF  }
0xac: {  	[dreg:$0x1] =	wrdreg $0xFFFFFFFF  }
0xad: {  	[dreg:$0x0] =	wrdreg $0x60  }
0xae: {  	[dreg:$0x2] =	wrdreg s24  }
0xaf: {  	[dreg:$0x3] =	wrdreg $0x9  }
0xb0: {  	_ =	task.clear_ibuf [dreg:s6], $0x4FFFF;
	_ =	strace $0x90000046  }
0xb1: {  	s29 =	simm.s32 $0x9;
	_ =	strace $0x80000048  }
0xb2: {  	_ =	swait.ge [sflag:s29], $0x1  }
0xb3: {  	[sflag:s29] =	ssyncadd.s32 $0xFFFFFFFF  }
0xb4: {  	_ =	strace $0x90000048  }
0xb5: {  	_ =	sfence  }
0xb6: {  	s30 =	sld [smem:$0x0];
	_ =	sdelay $0x2  }
0xb7: {  	s31 =	sshll.u32 s1, $0xD;
	s1 =	sshrl.u32 s1, $0x2  }
0xb8: {  	s3 =	sand.u32 $0x4000, s31;
	s1 =	sadd.s32 s1, s30  }
0xb9: {  	s0 =	sor.u32 s3, s0;
	s1 =	sshll.u32 s1, $0x11  }
0xba: {  	s0 =	sor.u32 s1, s0  }
0xbb: {  	s0 =	sadd.s32 $0x8F2B, s0  }
0xbc: {  	[sflag:s0] =	ssyncadd.remote.s32 $0x1  }
0xbd: {  	_ =	sfence.sel $0xFFFF  }
0xbe: {  	[dreg:$0x0] =	wrdreg $0xFFFFFFFF;
	(pc) =	sbr.abs _section_cstart, $3  }
0xbf: {  	[dreg:$0x1] =	wrdreg $0xFFFFFFFF  }
0xc0: {  	_ =	task.clear_ibuf [dreg:s6], $0x2FFFF;
	_ =	strace $0x9FFFFFFF  }
0xc1: {  	(tm) =	ssettm $0x7FFFFFFF  }
tec
execute0_lowered:
.L_overlay_start_1:
0x0: {  	(tag) =	ssettag $0x1  }
0x1: {  	s3 =	rddreg [dreg:$0x0];
	s1 =	simm.s32 $0x0  }
0x2: {  	[smem:$0x7FF] =	sst s1  }
0x3: {  	s0 =	rddreg [dreg:$0x1];
	v0 =	vimm.s32 $0x80000000;
	_ =	strace $0x80000047  }
0x4: {  	(xrf0) =	vmax.scan.msk.u32 $0xffff, v0;
	_ =	sdelay $0x5  }
0x5: {  	v0, _, _ =	vpop (xrf0)  }
0x6: {  	(v2sf) =	vpush v0, $0xF;
	_ =	sdelay $0x9  }
0x7: {  	s4 =	srdreg.scid;
	s2 =	stileid.u32  }
0x8: {  	s4 =	sand.u32 $0x1, s4;
	s5 =	sshll.u32 s2, $0x1  }
0x9: {  	s9 =	simm.s32 $0x0;
	s5 =	sor.u32 s4, s5;
	s4 =	ssub.s32 $0x2, s4  }
.Ltmp0:
0xa: {  	s6 =	sshll.u32 s5, $0x10;
	s5 =	sshll.u32 s5, $0xB;
	(pc) =	sbr.rel .LBB2_1-.Ltmp0, $4  }
0xb: {  	s31 =	sshrl.u32 s4, $0x1;
	s6 =	sadd.s32 s6, s3;
	s5 =	sadd.s32 s5, s3  }
0xc: {  	s8 =	ssub.s32 s4, s31;
	s3 =	sadd.s32 $0x2E00, s6;
	s7 =	spop (v2sf)  }
0xd: {  	s5 =	sadd.s32 $0x202E00, s5;
	s6 =	smax.u32 s8, $0x1;
	v0 =	vlaneseq.u32;
	s4 =	sxor.u32 $0x80000000, s7  }
0xe: {  	s8 =	simm.s32 $0x10000;
	v1 =	vor.u32 $0x10, v0;
	v2 =	vor.u32 $0x20, v0;
	v3 =	vor.u32 $0x30, v0;
	s7 =	simm.s32 $0x1;
	p0 =	slt.s32 s4, $0x40  }
.LBB2_10:
0xf: {  	s9 =	sadd.s32 $0x1, s9  }
0x10: {  	p1 =	sne.s32 s9, s6  }
.Ltmp1:
0x11: {  	_ = 	snop;
	(pc) =	sbr.rel @!p1 .LBB2_11-.Ltmp1, $4  }
0x12: {  	[hbm4b:s5+s1] =	stream.linear.scatter [tilespmem:s8], [sflag:$0x1], $0x4000, $0x38;
	[tilespmem:$0x14000] =	vst v63  }
0x13: {  	_ =	swait.ge [sflag:s7], $0x4000  }
0x14: {  	[sflag:s7] =	ssyncset.done $0x0  }
0x15: {  	[sflag:s7] =	ssyncadd.s32 $0xFFFFC000  }
.LBB2_1:
.Ltmp2:
0x16: {  	(pc) =	sbr.rel .LBB2_2-.Ltmp2, $2  }
0x17: {  	_ =	sdelay $0x2  }
0x18: {  	s10 =	simm.s32 $0x0  }
.LBB2_9:
0x19: {  	s10 =	sadd.s32 $0x1, s10  }
0x1a: {  	p1 =	sne.s32 s10, $0x8  }
.Ltmp3:
0x1b: {  	_ = 	snop;
	(pc) =	sbr.rel @!p1 .LBB2_10-.Ltmp3, $1  }
0x1c: {  	_ =	sdelay $0x3  }
.LBB2_2:
0x1d: {  	s11 =	sshll.u32 s10, $0xD  }
.Ltmp4:
0x1e: {  	s12 =	sadd.s32 s11, s3;
	s11 =	simm.s32 $0x0;
	(pc) =	sbr.rel .LBB2_3-.Ltmp4, $4  }
0x1f: {  	[tilespmem:s11], [sflag:$0x1] =	stream.linear.gather [hbm4b:s12+s11], $0x10000, $0x38;
	[tilespmem:$0x14000] =	vst v63  }
0x20: {  	_ =	swait.ge [sflag:s7], $0x10000  }
0x21: {  	[sflag:s7] =	ssyncset.done $0x0  }
0x22: {  	s12 =	sshll.u32 s10, $0x4;
	[sflag:s7] =	ssyncadd.s32 $0xFFFF0000  }
.LBB2_4:
0x23: {  	v4 =	vshll.u32 v5, $0x7;
	s15 =	smov.u32 s4  }
.LBB2_8:
0x24: {  	v5 =	vor.u32 v0, v4;
	_ =	sdelay $0x3  }
0x25: {  	v6 =	vld.idx.msk [tilespmem:v4+s8+$0x0], $0xffff  }
0x26: {  	v7 =	vld.idx.msk [tilespmem:v5+s8+$0x0], $0xffff;
	_ =	sdelay $0x1  }
0x27: {  	v8 =	vor.u32 v1, v4  }
0x28: {  	v9 =	vmov s15  }
0x29: {  	vm0 =	vgt.s32 v9, v0  }
0x2a: {  	v7 =	vsel vm0, v7, v6  }
0x2b: {  	[tilespmem:v5+s8+$0x0] =	vst.idx.msk $0xffff, v7  }
0x2c: {  	v5 =	vld.idx.msk [tilespmem:v8+s8+$0x0], $0xffff;
	_ =	sdelay $0x1  }
0x2d: {  	v63 =	vor.u32 v2, v4;
	_ =	sdelay $0x1  }
0x2e: {  	vm13 =	vgt.s32 v9, v1  }
0x2f: {  	v5 =	vsel vm13, v5, v6  }
0x30: {  	[tilespmem:v8+s8+$0x0] =	vst.idx.msk $0xffff, v5  }
0x31: {  	v5 =	vld.idx.msk [tilespmem:v63+s8+$0x0], $0xffff;
	_ =	sdelay $0x1  }
0x32: {  	v4 =	vor.u32 v3, v4;
	_ =	sdelay $0x1  }
0x33: {  	vm14 =	vgt.s32 v9, v2  }
0x34: {  	v5 =	vsel vm14, v5, v6  }
0x35: {  	[tilespmem:v63+s8+$0x0] =	vst.idx.msk $0xffff, v5  }
0x36: {  	s11 =	sadd.s32 $0x1, s11;
	v5 =	vld.idx.msk [tilespmem:v4+s8+$0x0], $0xffff  }
0x37: {  	p1 =	sne.s32 s11, $0x10  }
.Ltmp5:
0x38: {  	_ = 	snop;
	(pc) =	sbr.rel @!p1 .LBB2_9-.Ltmp5, $4  }
0x39: {  	_ = 	snop  }
0x3a: {  	vm15 =	vgt.s32 v9, v3  }
0x3b: {  	v5 =	vsel vm15, v5, v6  }
0x3c: {  	[tilespmem:v4+s8+$0x0] =	vst.idx.msk $0xffff, v5  }
.LBB2_3:
.Ltmp6:
0x3d: {  	(pc) =	sbr.rel @!p0 .LBB2_4-.Ltmp6, $3  }
0x3e: {  	_ =	sdelay $0x1  }
0x3f: {  	s13 =	sadd.s32 s12, s11  }
0x40: {  	v5 =	vmov s13  }
0x41: {  	v4 =	vmov s11  }
0x42: {  	v4 =	vbroadcast v4, $0x0;
	_ =	sdelay $0x1  }
0x43: {  	v6 =	vshll.u32 v4, $0xC;
	v4 =	vshll.u32 v4, $0x7  }
0x44: {  	v6 =	vand.u32 $0x8000, v6;
	v4 =	vand.u32 $0x380, v4  }
0x45: {  	v4 =	vor.u32 v4, v6  }
0x46: {  	v5 =	vshll.u32 v5, $0x7;
	v7 =	vimm.s32 $0x0;
	s14 =	simm.s32 $0x0;
	s13 =	simm.s32 $0x0;
	v6 =	vor.u32 v0, v4  }
.LBB2_6:
0x47: {  	v8 =	vmov s13  }
0x48: {  	v8 =	vshll.u32 v8, $0x3  }
0x49: {  	v8 =	vadd.s32 v6, v8;
	_ =	sdelay $0x4  }
0x4a: {  	v8 =	vld.idx.msk [tilespmem:v8+s1+$0x0], $0xffff;
	_ =	sdelay $0x4  }
0x4b: {  	(xrf0) =	vadd.scan.msk.s32 $0xffff, v8;
	_ =	sdelay $0x3  }
0x4c: {  	s15 =	sadd.s32 $0x10, s13  }
0x4d: {  	v11 =	vor.u32 s15, v0  }
0x4e: {  	v15 =	vmov s15;
	v12 =	vand.u32 $0x1F, v11;
	v10 =	vsub.s32 v7, v8;
	v9, _, _ =	vpop (xrf0)  }
0x4f: {  	vm0 =	veq.s32 v8, $0x1;
	v9 =	vadd.s32 v9, v10;
	v10 =	vshll.u32 v15, $0x3  }
0x50: {  	vm1 =	vlt.s32 v9, $0x40;
	v8 =	vand.u32 $0xFFFFFF80, v9;
	v9 =	vand.u32 $0x7F, v9  }
0x51: {  	v10 =	vand.u32 $0x7C00, v10;
	vm1 =	vmand vm0, vm1;
	v8 =	vadd.s32 v5, v8  }
0x52: {  	v16 =	vor.u32 v10, v12;
	v8 =	vor.u32 v9, v8  }
0x53: {  	v9 =	vor.u32 v4, v16;
	_ =	sdelay $0x2  }
0x54: {  	v17 =	vor.u32 s13, v0  }
0x55: {  	[tilespmem:v8+s8+$0x0] =	vst.idx.msk vm1, v17  }
0x56: {  	v8 =	vld.idx.msk [tilespmem:v9+s1+$0x0], $0xffff;
	_ =	sdelay $0x4  }
0x57: {  	(xrf0) =	vadd.scan.msk.s32 $0xffff, v8;
	_ =	sdelay $0x2  }
0x58: {  	v18 =	vmpcnt.ones.xlane vm0  }
0x59: {  	s24 =	sadd.s32 $0x20, s13  }
0x5a: {  	v21 =	vmov s24;
	v7 =	vadd.s32 v7, v18  }
0x5b: {  	v22 =	vor.u32 s24, v0;
	v10 =	vshll.u32 v21, $0x3;
	v20 =	vsub.s32 v7, v8;
	v19, _, _ =	vpop (xrf0)  }
0x5c: {  	v13 =	vand.u32 $0x2F, v22;
	v10 =	vand.u32 $0x7C00, v10;
	v9 =	vadd.s32 v19, v20  }
0x5d: {  	vm14 =	veq.s32 v8, $0x1;
	vm15 =	vlt.s32 v9, $0x40;
	v8 =	vand.u32 $0xFFFFFF80, v9  }
0x5e: {  	v9 =	vand.u32 $0x7F, v9;
	vm1 =	vmand vm14, vm15;
	v8 =	vadd.s32 v5, v8  }
0x5f: {  	v23 =	vor.u32 v10, v13;
	v8 =	vor.u32 v9, v8  }
0x60: {  	v9 =	vor.u32 v4, v23;
	_ =	sdelay $0x3  }
0x61: {  	[tilespmem:v8+s8+$0x0] =	vst.idx.msk vm1, v11  }
0x62: {  	v8 =	vld.idx.msk [tilespmem:v9+s1+$0x0], $0xffff;
	_ =	sdelay $0x4  }
0x63: {  	(xrf0) =	vadd.scan.msk.s32 $0xffff, v8;
	_ =	sdelay $0x2  }
0x64: {  	v24 =	vmpcnt.ones.xlane vm14  }
0x65: {  	s25 =	sadd.s32 $0x30, s13  }
0x66: {  	v27 =	vmov s25;
	v7 =	vadd.s32 v7, v24  }
0x67: {  	v28 =	vor.u32 s25, v0;
	v10 =	vshll.u32 v27, $0x3;
	v26 =	vsub.s32 v7, v8;
	v25, _, _ =	vpop (xrf0)  }
0x68: {  	v29 =	vand.u32 $0x3F, v28;
	v10 =	vand.u32 $0x7C00, v10;
	v9 =	vadd.s32 v25, v26  }
0x69: {  	vm4 =	veq.s32 v8, $0x1;
	vm5 =	vlt.s32 v9, $0x40;
	v8 =	vand.u32 $0xFFFFFF80, v9  }
0x6a: {  	v9 =	vand.u32 $0x7F, v9;
	vm1 =	vmand vm4, vm5;
	v8 =	vadd.s32 v5, v8  }
0x6b: {  	v30 =	vor.u32 v10, v29;
	v8 =	vor.u32 v9, v8  }
0x6c: {  	v9 =	vor.u32 v4, v30;
	_ =	sdelay $0x3  }
0x6d: {  	[tilespmem:v8+s8+$0x0] =	vst.idx.msk vm1, v22  }
0x6e: {  	v8 =	vld.idx.msk [tilespmem:v9+s1+$0x0], $0xffff;
	_ =	sdelay $0x4  }
0x6f: {  	(xrf0) =	vadd.scan.msk.s32 $0xffff, v8;
	_ =	sdelay $0x2  }
0x70: {  	v31 =	vmpcnt.ones.xlane vm4  }
0x71: {  	s26 =	sadd.s32 $0x40, s13  }
0x72: {  	v34 =	vmov s26;
	v7 =	vadd.s32 v7, v31  }
0x73: {  	v35 =	vor.u32 s26, v0;
	v10 =	vshll.u32 v34, $0x3;
	v33 =	vsub.s32 v7, v8;
	v32, _, _ =	vpop (xrf0)  }
0x74: {  	v36 =	vand.u32 $0x4F, v35;
	v10 =	vand.u32 $0x7C00, v10;
	v9 =	vadd.s32 v32, v33  }
0x75: {  	vm6 =	veq.s32 v8, $0x1;
	vm7 =	vlt.s32 v9, $0x40;
	v8 =	vand.u32 $0xFFFFFF80, v9  }
0x76: {  	v9 =	vand.u32 $0x7F, v9;
	vm1 =	vmand vm6, vm7;
	v8 =	vadd.s32 v5, v8  }
0x77: {  	v37 =	vor.u32 v10, v36;
	v8 =	vor.u32 v9, v8  }
0x78: {  	v9 =	vor.u32 v4, v37;
	_ =	sdelay $0x3  }
0x79: {  	[tilespmem:v8+s8+$0x0] =	vst.idx.msk vm1, v28  }
0x7a: {  	v8 =	vld.idx.msk [tilespmem:v9+s1+$0x0], $0xffff;
	_ =	sdelay $0x4  }
0x7b: {  	(xrf0) =	vadd.scan.msk.s32 $0xffff, v8;
	_ =	sdelay $0x2  }
0x7c: {  	v38 =	vmpcnt.ones.xlane vm6  }
0x7d: {  	s28 =	sadd.s32 $0x50, s13  }
0x7e: {  	v41 =	vmov s28;
	v7 =	vadd.s32 v7, v38  }
0x7f: {  	v42 =	vor.u32 s28, v0;
	v10 =	vshll.u32 v41, $0x3;
	v40 =	vsub.s32 v7, v8;
	v39, _, _ =	vpop (xrf0)  }
0x80: {  	v43 =	vand.u32 $0x5F, v42;
	v10 =	vand.u32 $0x7C00, v10;
	v9 =	vadd.s32 v39, v40  }
0x81: {  	vm8 =	veq.s32 v8, $0x1;
	vm9 =	vlt.s32 v9, $0x40;
	v8 =	vand.u32 $0xFFFFFF80, v9  }
0x82: {  	v9 =	vand.u32 $0x7F, v9;
	vm1 =	vmand vm8, vm9;
	v8 =	vadd.s32 v5, v8  }
0x83: {  	v44 =	vor.u32 v10, v43;
	v8 =	vor.u32 v9, v8  }
0x84: {  	v9 =	vor.u32 v4, v44;
	_ =	sdelay $0x3  }
0x85: {  	[tilespmem:v8+s8+$0x0] =	vst.idx.msk vm1, v35  }
0x86: {  	v8 =	vld.idx.msk [tilespmem:v9+s1+$0x0], $0xffff;
	_ =	sdelay $0x4  }
0x87: {  	(xrf0) =	vadd.scan.msk.s32 $0xffff, v8;
	_ =	sdelay $0x2  }
0x88: {  	v45 =	vmpcnt.ones.xlane vm8  }
0x89: {  	s29 =	sadd.s32 $0x60, s13  }
0x8a: {  	v48 =	vmov s29;
	v7 =	vadd.s32 v7, v45  }
0x8b: {  	v49 =	vor.u32 s29, v0;
	v10 =	vshll.u32 v48, $0x3;
	v47 =	vsub.s32 v7, v8;
	v46, _, _ =	vpop (xrf0)  }
0x8c: {  	v50 =	vand.u32 $0x6F, v49;
	v10 =	vand.u32 $0x7C00, v10;
	v9 =	vadd.s32 v46, v47  }
0x8d: {  	vm10 =	veq.s32 v8, $0x1;
	vm11 =	vlt.s32 v9, $0x40;
	v8 =	vand.u32 $0xFFFFFF80, v9  }
0x8e: {  	v9 =	vand.u32 $0x7F, v9;
	vm1 =	vmand vm10, vm11;
	v8 =	vadd.s32 v5, v8  }
0x8f: {  	v51 =	vor.u32 v10, v50;
	v8 =	vor.u32 v9, v8  }
0x90: {  	v9 =	vor.u32 v4, v51;
	_ =	sdelay $0x3  }
0x91: {  	[tilespmem:v8+s8+$0x0] =	vst.idx.msk vm1, v42  }
0x92: {  	v8 =	vld.idx.msk [tilespmem:v9+s1+$0x0], $0xffff;
	_ =	sdelay $0x4  }
0x93: {  	(xrf0) =	vadd.scan.msk.s32 $0xffff, v8;
	_ =	sdelay $0x2  }
0x94: {  	v52 =	vmpcnt.ones.xlane vm10  }
0x95: {  	s30 =	sadd.s32 $0x70, s13  }
0x96: {  	v55 =	vmov s30;
	v7 =	vadd.s32 v7, v52  }
0x97: {  	v56 =	vor.u32 s30, v0;
	v10 =	vshll.u32 v55, $0x3;
	v54 =	vsub.s32 v7, v8;
	v53, _, _ =	vpop (xrf0)  }
0x98: {  	v57 =	vand.u32 $0x7F, v56;
	v10 =	vand.u32 $0x7C00, v10;
	v9 =	vadd.s32 v53, v54  }
0x99: {  	vm12 =	veq.s32 v8, $0x1;
	vm13 =	vlt.s32 v9, $0x40;
	v8 =	vand.u32 $0xFFFFFF80, v9  }
0x9a: {  	v9 =	vand.u32 $0x7F, v9;
	vm1 =	vmand vm12, vm13;
	v8 =	vadd.s32 v5, v8  }
0x9b: {  	v58 =	vor.u32 v10, v57;
	v8 =	vor.u32 v9, v8  }
0x9c: {  	v9 =	vor.u32 v4, v58;
	_ =	sdelay $0x3  }
0x9d: {  	[tilespmem:v8+s8+$0x0] =	vst.idx.msk vm1, v49  }
0x9e: {  	v8 =	vld.idx.msk [tilespmem:v9+s1+$0x0], $0xffff;
	_ =	sdelay $0x4  }
0x9f: {  	v59 =	vmpcnt.ones.xlane vm12;
	vm14 =	veq.s32 v8, $0x1  }
0xa0: {  	v60 =	vmpcnt.ones.xlane vm14  }
0xa1: {  	v9 =	vadd.s32 v7, v59  }
0xa2: {  	v7 =	vadd.s32 v9, v60  }
0xa3: {  	(xrf0) =	vadd.scan.msk.s32 $0xffff, v8;
	v10 =	vxor.u32 $0x80000000, v7  }
0xa4: {  	(xrf0) =	vmax.scan.msk.u32 $0xffff, v10;
	_ =	sdelay $0x4  }
0xa5: {  	v61, _, _ =	vpop (xrf0)  }
0xa6: {  	v62, _, _ =	vpop (xrf0)  }
0xa7: {  	(v2sf) =	vpush v62, $0xF;
	_ =	sdelay $0xd  }
0xa8: {  	v8 =	vsub.s32 v9, v8  }
0xa9: {  	v8 =	vadd.s32 v61, v8;
	s31 =	spop (v2sf)  }
0xaa: {  	p1 =	sgt.u32 s14, $0x1E;
	vm15 =	vlt.s32 v8, $0x40;
	v63 =	vand.u32 $0xFFFFFF80, v8;
	s15 =	sxor.u32 $0x80000000, s31  }
0xab: {  	v8 =	vand.u32 $0x7F, v8;
	vm0 =	vmand vm14, vm15;
	v9 =	vadd.s32 v5, v63;
	p2 =	slt.s32 @!p1 s15, $0x40  }
0xac: {  	v8 =	vor.u32 v8, v9;
	p2 =	por p1, !p2  }
.Ltmp7:
0xad: {  	_ = 	snop;
	(pc) =	sbr.rel @!p2 .LBB2_6-.Ltmp7, $2  }
0xae: {  	_ =	sdelay $0x2  }
0xaf: {  	s14 =	sadd.s32 $0x1, s14;
	s13 =	sadd.s32 $0x80, s13;
	[tilespmem:v8+s8+$0x0] =	vst.idx.msk vm0, v56  }
.Ltmp8:
0xb0: {  	(pc) =	sbr.rel .LBB2_8-.Ltmp8, $2  }
0xb1: {  	_ =	sdelay $0x2  }
0xb2: {  	v4 =	vpsel p1, v5, v5;
	s15 =	smov.u32 @p1 s15  }
.LBB2_11:
0xb3: {  	_ =	sfence.sel $0x180000  }
0xb4: {  	[bflag:$0x0] =	sbarrier.arrive $0xFFFF  }
0xb5: {  	p0 =	sne.s32 s2, $0x0;
	_ =	strace $0x90000047  }
0xb6: {  	s0 =	sadd.s32 @!p0 $0x100000, s0;
	[bflag:$0x2] =	sbarrier.arrive $0xFFFF  }
0xb7: {  	[sflag:s0] =	ssyncadd.tile.s32 @!p0 $0x1;
	_ =	shalt  }
.Lfunc_end2:
_tile_overlayer_lowered:
.L_overlay_start_2:
0xb8: {  	(tag) =	ssettag $0x2  }
0xb9: {  	s0 =	rddreg [dreg:$0x0];
	s2 =	stileid.u32  }
0xba: {  	s1 =	rddreg [dreg:$0x1];
	p0 =	sne.s32 s2, $0x0  }
0xbb: {  	s3 =	rddreg [dreg:$0x2];
	[bflag:$0x3] =	sbarrier.arrive $0xFFFF;
	s2 =	simm.s32 @!p0 $0x1C01  }
0xbc: {  	[timem:s3], [sflag:s2] =	dma.local @!p0 [hbm:s0], s1  }
0xbd: {  	s0 =	simm.s32 @!p0 $0x1  }
0xbe: {  	_ =	swait.ge @!p0 [sflag:s0], s1  }
0xbf: {  	s1 =	ssub.s32 @!p0 $0x0, s1;
	[sflag:s0] =	ssyncset.done @!p0 $0x0  }
0xc0: {  	[sflag:s0] =	ssyncadd.s32 @!p0 s1  }
0xc1: {  	[bflag:$0x3] =	sbarrier.arrive $0xFFFF  }
0xc2: {  	_ =	shalt  }

// kernel: kernel.14.cloned.1.call-start
scs
__scs_entry_jumppad:
0x0: {  	(pc) =	sbr.rel $0x88, $3  }
0x1: {  	(tag) =	ssettag $0x0;
	lr =	simm.s32 $0x1  }
0x2: {  	[smem:$0x3F99] =	sst lr;
	_ =	strace $0xD0000000  }
0x3: {  	_ = 	snop  }
0x4: {  	_ = 	snop  }
0x5: {  	_ = 	snop  }
0x6: {  	_ = 	snop  }
0x7: {  	_ = 	snop  }
__scs_overlays_trampoline_lowered:
0x8: {  	[smem:$0x3FA8] =	sst s0  }
0x9: {  	[smem:$0x3FA9] =	sst s1  }
0xa: {  	[smem:$0x3FAA] =	sst s2  }
0xb: {  	[smem:$0x3FAB] =	sst s3  }
0xc: {  	[smem:$0x3FAC] =	sst s4  }
0xd: {  	[smem:$0x3FAD] =	sst s5  }
0xe: {  	[smem:$0x3FAE] =	sst s6  }
0xf: {  	[smem:$0x3FAF] =	sst s7  }
0x10: {  	[smem:$0x3FB0] =	sst s8  }
0x11: {  	[smem:$0x3FB1] =	sst s9;
	s0 =	simm.s32 @!p0 $0x0  }
0x12: {  	s1 =	sld [smem:$0x3F97];
	s0 =	simm.s32 @p0 $0x1  }
0x13: {  	[smem:$0x3FB2] =	sst s0;
	s0 =	simm.s32 @!p1 $0x0  }
0x14: {  	s2 =	sld [smem:$0x3F96];
	s0 =	simm.s32 @p1 $0x1  }
0x15: {  	[smem:$0x3FB3] =	sst s0;
	s0 =	simm.s32 @!p2 $0x0  }
0x16: {  	s3 =	sld [smem:$0x3FDB];
	s0 =	simm.s32 @p2 $0x1  }
0x17: {  	s4 =	simm.s32 $0x1BF5;
	[smem:$0x3FB5] =	sst s0  }
0x18: {  	s0 =	sld [smem:$0x3F98];
	_ =	swait.ge [sflag:s4], $0x0  }
0x19: {  	s7 =	sld [smem:$0x3F99]  }
0x1a: {  	s8 =	sadd.s32 $0xFFFFE003, lr  }
0x1b: {  	s9 =	sadd.s32 $0xFFFFFEF7, lr;
	s5 =	simm.s32 $0xFFFFFFFF;
	p2 =	slt.u32 s8, $0xFFFFF086  }
0x1c: {  	p1 =	slt.u32 s9, $0xF7A;
	s5 =	simm.s32 @!p2 $0x0  }
0x1d: {  	s5 =	simm.s32 @p1 $0x1;
	p0 =	seq.s32 s7, s2  }
0x1e: {  	s7 =	smul.u32 @!p0 $0xF7A, s2;
	p2 =	seq.s32 @!p0 s5, $0x0  }
0x1f: {  	s9 =	smul.u32 $0xF7A, s1;
	s8 =	simm.s32 @!p0 $0x1BF5;
	p2 =	por !p2, p0  }
0x20: {  	[sflag:s8] =	ssyncset.s32 @!p0 $0xFFFFF086;
	s6 =	sadd.s32 @!p0 s3, s7;
	s7 =	simm.s32 @!p0 $0x108  }
0x21: {  	s3 =	sadd.s32 s3, s9;
	s6 =	sadd.s32 @!p0 $0x88, s6;
	s7 =	simm.s32 @p2 $0x1082  }
0x22: {  	[simem:s7], [sflag:s8] =	dma.local @!p0 [hbm:s6], $0xF7A  }
0x23: {  	s9 =	sor.u32 $0xD0000000, s2;
	s6 =	simm.s32 $0x108;
	_ =	swait.ge @!p0 [sflag:s8], $0x0  }
0x24: {  	s3 =	sadd.s32 $0x88, s3;
	s6 =	simm.s32 @!p1 $0x1082;
	[sflag:s4] =	ssyncset.s32 $0xFFFFF086  }
0x25: {  	[simem:s6], [sflag:s4] =	dma.local [hbm:s3], $0xF7A  }
0x26: {  	[smem:$0x3F99] =	sst s1;
	(tag) =	ssettag s2;
	_ =	strace s9  }
0x27: {  	s1 =	sld [smem:$0x3FA9]  }
0x28: {  	s2 =	sld [smem:$0x3FAA]  }
0x29: {  	s4 =	sld [smem:$0x3FAC]  }
0x2a: {  	p0 =	seq.s32 s5, $0x0;
	s5 =	sld [smem:$0x3FAD]  }
0x2b: {  	s6 =	sld [smem:$0x3FAE]  }
0x2c: {  	s7 =	sld [smem:$0x3FAF]  }
0x2d: {  	s3 =	simm.s32 $0x108;
	s8 =	sld [smem:$0x3FB0]  }
0x2e: {  	s3 =	simm.s32 @!p0 $0x1082;
	s9 =	sld [smem:$0x3FB1]  }
0x2f: {  	lr =	sadd.s32 s0, s3;
	s0 =	sld [smem:$0x3FA8]  }
0x30: {  	s3 =	sld [smem:$0x3FAB]  }
0x31: {  	[smem:$0x3FB4] =	sst s10  }
0x32: {  	s10 =	sld [smem:$0x3FB2];
	_ =	sdelay $0x3  }
0x33: {  	p0 =	seq.s32 s10, $0x1;
	s10 =	sld [smem:$0x3FB4];
	_ =	sdelay $0x3  }
0x34: {  	[smem:$0x3FB4] =	sst s10  }
0x35: {  	s10 =	sld [smem:$0x3FB3];
	_ =	sdelay $0x3  }
0x36: {  	p1 =	seq.s32 s10, $0x1;
	s10 =	sld [smem:$0x3FB4];
	_ =	sdelay $0x3  }
0x37: {  	[smem:$0x3FB4] =	sst s10  }
0x38: {  	s10 =	sld [smem:$0x3FB5]  }
0x39: {  	_ = 	snop;
	(pc) =	sbr.ind lr, $3  }
0x3a: {  	_ = 	snop  }
0x3b: {  	_ = 	snop  }
0x3c: {  	p2 =	seq.s32 s10, $0x1;
	s10 =	sld [smem:$0x3FB4]  }
0x3d: {  	_ =	shalt  }
0x3e: {  	_ =	shalt  }
0x3f: {  	_ =	shalt  }
0x40: {  	_ =	shalt  }
0x41: {  	_ =	shalt  }
0x42: {  	_ =	shalt  }
0x43: {  	_ =	shalt  }
0x44: {  	_ =	shalt  }
0x45: {  	_ =	shalt  }
0x46: {  	_ =	shalt  }
0x47: {  	_ =	shalt  }
0x48: {  	_ =	shalt  }
0x49: {  	_ =	shalt  }
0x4a: {  	_ =	shalt  }
0x4b: {  	_ =	shalt  }
0x4c: {  	_ =	shalt  }
0x4d: {  	_ =	shalt  }
0x4e: {  	_ =	shalt  }
0x4f: {  	_ =	shalt  }
0x50: {  	_ =	shalt  }
0x51: {  	_ =	shalt  }
0x52: {  	_ =	shalt  }
0x53: {  	_ =	shalt  }
0x54: {  	_ =	shalt  }
0x55: {  	_ =	shalt  }
0x56: {  	_ =	shalt  }
0x57: {  	_ =	shalt  }
0x58: {  	_ =	shalt  }
0x59: {  	_ =	shalt  }
0x5a: {  	_ =	shalt  }
0x5b: {  	_ =	shalt  }
0x5c: {  	_ =	shalt  }
0x5d: {  	_ =	shalt  }
0x5e: {  	_ =	shalt  }
0x5f: {  	_ =	shalt  }
0x60: {  	_ =	shalt  }
0x61: {  	_ =	shalt  }
0x62: {  	_ =	shalt  }
0x63: {  	_ =	shalt  }
0x64: {  	_ =	shalt  }
0x65: {  	_ =	shalt  }
0x66: {  	_ =	shalt  }
0x67: {  	_ =	shalt  }
0x68: {  	_ =	shalt  }
0x69: {  	_ =	shalt  }
0x6a: {  	_ =	shalt  }
0x6b: {  	_ =	shalt  }
0x6c: {  	_ =	shalt  }
0x6d: {  	_ =	shalt  }
0x6e: {  	_ =	shalt  }
0x6f: {  	_ =	shalt  }
0x70: {  	_ =	shalt  }
0x71: {  	_ =	shalt  }
0x72: {  	_ =	shalt  }
0x73: {  	_ =	shalt  }
0x74: {  	_ =	shalt  }
0x75: {  	_ =	shalt  }
0x76: {  	_ =	shalt  }
0x77: {  	_ =	shalt  }
0x78: {  	_ =	shalt  }
0x79: {  	_ =	shalt  }
0x7a: {  	_ =	shalt  }
0x7b: {  	_ =	shalt  }
0x7c: {  	_ =	shalt  }
0x7d: {  	_ =	shalt  }
0x7e: {  	_ =	shalt  }
0x7f: {  	_ =	shalt  }
0x80: {  	_ =	shalt  }
0x81: {  	_ =	shalt  }
0x82: {  	_ =	shalt  }
0x83: {  	_ =	shalt  }
0x84: {  	_ =	shalt  }
0x85: {  	_ =	shalt  }
0x86: {  	_ =	shalt  }
0x87: {  	_ =	shalt  }
.Lfunc_end0:
.L_simem_size_0:
called_computation.1_lowered:
.L_overlay_start_0:
0x88: {  	s2 =	sld [smem:$0x3FD9]  }
0x89: {  	s3 =	sld [smem:$0x3FFE];
	_ =	sdelay $0x1  }
0x8a: {  	s1 =	srdreg.scid  }
0x8b: {  	s0 =	sand.u32 $0x1, s1  }
0x8c: {  	s16 =	sshll.u32 s0, $0xA;
	s2 =	sadd.s32 s3, s2  }
0x8d: {  	s2 =	sadd.s32 s2, s16  }
0x8e: {  	[smem:$0x3FC0] =	sst s2  }
0x8f: {  	_ = 	snop  }
0x90: {  	(tm) =	ssettm $0x1  }
0x91: {  	s17 =	sld [smem:$0x3FFB];
	_ =	sdelay $0x3  }
0x92: {  	_ =	strace s17  }
0x93: {  	s2 =	sld [smem:$0x3FFC];
	_ =	sdelay $0x3  }
0x94: {  	_ =	strace s2  }
0x95: {  	s2 =	sld [smem:$0x3FFD];
	_ =	sdelay $0x3  }
0x96: {  	_ =	strace s2  }
0x97: {  	_ =	strace $0x8FFFFFFF  }
0x98: {  	s18 =	sld [smem:$0x3FDB];
	_ =	sdelay $0x1  }
0x99: {  	s19 =	simm.s32 $_scs_section_size  }
0x9a: {  	s4 =	simm.s32 $_size__tile_overlayer_lowered;
	s5 =	simm.s32 $_tile_overlayer_lowered  }
0x9b: {  	s22 =	simm.s32 $0x1BFF;
	s21 =	sshll.u32 s5, $0x1;
	s2 =	sadd.s32 s19, s18  }
0x9c: {  	s6 =	simm.s32 $0x0;
	s20 =	sshll.u32 s4, $0x1;
	s4 =	sadd.s32 s21, s2  }
0x9d: {  	[timem:s6], [sflag:s22] =	dma.local [hbm:s4], s20  }
0x9e: {  	_ =	swait.ge [sflag:s22], s20  }
0x9f: {  	s3 =	ssub.s32 $0x0, s20;
	[sflag:s22] =	ssyncset.done $0x0  }
0xa0: {  	[sflag:s22] =	ssyncadd.s32 s3;
	_ =	sdelay $0x1  }
0xa1: {  	s23 =	simm.s32 $0x1B8B  }
0xa2: {  	_ =	swait.ge [sflag:s23], $0x1  }
0xa3: {  	[sflag:s23] =	ssyncset.done $0x0  }
0xa4: {  	s25 =	simm.s32 $0x1B8E;
	s24 =	sld [smem:$0x3FFE];
	[sflag:s23] =	ssyncadd.s32 $0xFFFFFFFF  }
0xa5: {  	s26 =	simm.s32 $execute0_lowered;
	[smem:$0x3FD2] =	sst s25  }
0xa6: {  	s4 =	sshll.u32 s26, $0x1;
	_ =	strace $0x80000049;
	[dreg:$0x1] =	wrdreg $0xFFFFFFFF  }
0xa7: {  	s28 =	simm.s32 $_size_execute0_lowered;
	s2 =	sadd.s32 s2, s4;
	[dreg:$0x0] =	wrdreg $0x0  }
0xa8: {  	s4 =	sshll.u32 s28, $0x1;
	[dreg:$0x2] =	wrdreg s2  }
0xa9: {  	[dreg:$0x3] =	wrdreg s4  }
0xaa: {  	[dreg:$0x4] =	wrdreg $0xC0  }
0xab: {  	_ =	task [dreg:s6], $0x5FFFF  }
0xac: {  	[dreg:$0x1] =	wrdreg $0xFFFFFFFF  }
0xad: {  	[dreg:$0x0] =	wrdreg $0x60  }
0xae: {  	[dreg:$0x2] =	wrdreg s24  }
0xaf: {  	[dreg:$0x3] =	wrdreg $0x9  }
0xb0: {  	_ =	task.clear_ibuf [dreg:s6], $0x4FFFF;
	_ =	strace $0x90000049  }
0xb1: {  	s29 =	simm.s32 $0x9;
	_ =	strace $0x8000004B  }
0xb2: {  	_ =	swait.ge [sflag:s29], $0x1  }
0xb3: {  	[sflag:s29] =	ssyncadd.s32 $0xFFFFFFFF  }
0xb4: {  	_ =	strace $0x9000004B  }
0xb5: {  	_ =	sfence  }
0xb6: {  	s30 =	sld [smem:$0x0];
	_ =	sdelay $0x2  }
0xb7: {  	s31 =	sshll.u32 s1, $0xD;
	s1 =	sshrl.u32 s1, $0x2  }
0xb8: {  	s3 =	sand.u32 $0x4000, s31;
	s1 =	sadd.s32 s1, s30  }
0xb9: {  	s0 =	sor.u32 s3, s0;
	s1 =	sshll.u32 s1, $0x11  }
0xba: {  	s0 =	sor.u32 s1, s0  }
0xbb: {  	s0 =	sadd.s32 $0x8F2B, s0  }
0xbc: {  	[sflag:s0] =	ssyncadd.remote.s32 $0x1  }
0xbd: {  	_ =	sfence.sel $0xFFFF  }
0xbe: {  	[dreg:$0x0] =	wrdreg $0xFFFFFFFF;
	(pc) =	sbr.abs _section_cstart, $3  }
0xbf: {  	[dreg:$0x1] =	wrdreg $0xFFFFFFFF  }
0xc0: {  	_ =	task.clear_ibuf [dreg:s6], $0x2FFFF;
	_ =	strace $0x9FFFFFFF  }
0xc1: {  	(tm) =	ssettm $0x7FFFFFFF  }
tec
execute0_lowered:
.L_overlay_start_1:
0x0: {  	(tag) =	ssettag $0x1  }
0x1: {  	s1 =	srdreg.scid  }
0x2: {  	s0 =	stileid.u32;
	s4 =	rddreg [dreg:$0x0]  }
0x3: {  	s2 =	simm.s32 $0x0;
	s10 =	simm.s32 $0x8000;
	s11 =	simm.s32 $0xA000  }
0x4: {  	s12 =	simm.s32 $0xC000;
	s13 =	simm.s32 $0xE000;
	s14 =	simm.s32 $0x10000  }
0x5: {  	s15 =	simm.s32 $0x12000;
	s16 =	simm.s32 $0x14000;
	s17 =	simm.s32 $0x1  }
0x6: {  	s18 =	simm.s32 $0x0;
	s5 =	sand.u32 $0x1, s1;
	s1 =	rddreg [dreg:$0x1]  }
0x7: {  	s3 =	sshll.u32 s0, $0x1;
	[smem:$0x7FF] =	sst s2;
	s7 =	smul.u32 $0x60000, s0  }
0x8: {  	s3 =	sor.u32 s5, s3;
	s8 =	ssub.s32 $0x2, s5;
	s5 =	smul.u32 $0x30000, s5  }
0x9: {  	_ =	strace $0x8000004A;
	s6 =	smul.u32 $0x6000, s3;
	s9 =	sshrl.u32 s8, $0x1  }
0xa: {  	s3 =	sadd.s32 $0x392E00, s4;
	s7 =	sadd.s32 s7, s4;
	s31 =	ssub.s32 s8, s9  }
0xb: {  	s7 =	sadd.s32 s5, s7;
	s8 =	simm.s32 $0x80;
	s6 =	sshrl.u32 s6, $0x3  }
0xc: {  	s9 =	simm.s32 $0x6000;
	s5 =	smax.u32 s31, $0x1;
	s4 =	sadd.s32 s6, s4  }
0xd: {  	s6 =	sadd.s32 $0x452E00, s7;
	s7 =	simm.s32 $0x2;
	s4 =	sadd.s32 $0x2E00, s4  }
.LBB2_1:
0xe: {  	[tilespmem:s2], [sflag:$0x2] =	stream.linear.gather [hbm4b:s4+s2], $0x6000, $0x38;
	[tilespmem:$0x16000] =	vst v63  }
0xf: {  	_ =	swait.ge [sflag:s7], $0x6000  }
0x10: {  	[sflag:s7] =	ssyncset.done $0x0  }
0x11: {  	s19 =	simm.s32 $0x0;
	[sflag:s7] =	ssyncadd.s32 $0xFFFFA000  }
0x12: {  	[tilespmem:s9], [sflag:$0x1] =	stream.indirect.gather [hbm4b:s3+s8], $0x40, s19, s8, $0xb8;
	[tilespmem:$0x16000] =	vst v63  }
0x13: {  	s24 =	simm.s32 $0x80  }
0x14: {  	[tilespmem:s10], [sflag:$0x1] =	stream.indirect.gather [hbm4b:s3+s8], $0x40, s24, s8, $0xb8;
	[tilespmem:$0x16000] =	vst v63  }
0x15: {  	s25 =	simm.s32 $0x100  }
0x16: {  	[tilespmem:s11], [sflag:$0x1] =	stream.indirect.gather [hbm4b:s3+s8], $0x40, s25, s8, $0xb8;
	[tilespmem:$0x16000] =	vst v63  }
0x17: {  	s26 =	simm.s32 $0x180  }
0x18: {  	[tilespmem:s12], [sflag:$0x1] =	stream.indirect.gather [hbm4b:s3+s8], $0x40, s26, s8, $0xb8;
	[tilespmem:$0x16000] =	vst v63  }
0x19: {  	s28 =	simm.s32 $0x200  }
0x1a: {  	[tilespmem:s13], [sflag:$0x1] =	stream.indirect.gather [hbm4b:s3+s8], $0x40, s28, s8, $0xb8;
	[tilespmem:$0x16000] =	vst v63  }
0x1b: {  	s29 =	simm.s32 $0x280  }
0x1c: {  	[tilespmem:s14], [sflag:$0x1] =	stream.indirect.gather [hbm4b:s3+s8], $0x40, s29, s8, $0xb8;
	[tilespmem:$0x16000] =	vst v63  }
0x1d: {  	s30 =	simm.s32 $0x300  }
0x1e: {  	[tilespmem:s15], [sflag:$0x1] =	stream.indirect.gather [hbm4b:s3+s8], $0x40, s30, s8, $0xb8;
	[tilespmem:$0x16000] =	vst v63  }
0x1f: {  	s31 =	simm.s32 $0x380  }
0x20: {  	[tilespmem:s16], [sflag:$0x1] =	stream.indirect.gather [hbm4b:s3+s8], $0x40, s31, s8, $0xb8;
	[tilespmem:$0x16000] =	vst v63  }
0x21: {  	_ =	swait.ge [sflag:s17], $0x2000  }
0x22: {  	[sflag:s17] =	ssyncset.done $0x0  }
0x23: {  	[sflag:s17] =	ssyncadd.s32 $0xFFFFE000  }
0x24: {  	_ =	swait.ge [sflag:s17], $0x2000  }
0x25: {  	[sflag:s17] =	ssyncset.done $0x0  }
0x26: {  	[sflag:s17] =	ssyncadd.s32 $0xFFFFE000  }
0x27: {  	_ =	swait.ge [sflag:s17], $0x2000  }
0x28: {  	[sflag:s17] =	ssyncset.done $0x0  }
0x29: {  	[sflag:s17] =	ssyncadd.s32 $0xFFFFE000  }
0x2a: {  	_ =	swait.ge [sflag:s17], $0x2000  }
0x2b: {  	[sflag:s17] =	ssyncset.done $0x0  }
0x2c: {  	[sflag:s17] =	ssyncadd.s32 $0xFFFFE000  }
0x2d: {  	_ =	swait.ge [sflag:s17], $0x2000  }
0x2e: {  	[sflag:s17] =	ssyncset.done $0x0  }
0x2f: {  	[sflag:s17] =	ssyncadd.s32 $0xFFFFE000  }
0x30: {  	_ =	swait.ge [sflag:s17], $0x2000  }
0x31: {  	[sflag:s17] =	ssyncset.done $0x0  }
0x32: {  	[sflag:s17] =	ssyncadd.s32 $0xFFFFE000  }
0x33: {  	_ =	swait.ge [sflag:s17], $0x2000  }
0x34: {  	[sflag:s17] =	ssyncset.done $0x0  }
0x35: {  	[sflag:s17] =	ssyncadd.s32 $0xFFFFE000  }
0x36: {  	_ =	swait.ge [sflag:s17], $0x2000  }
0x37: {  	[sflag:s17] =	ssyncset.done $0x0  }
0x38: {  	[sflag:s17] =	ssyncadd.s32 $0xFFFFE000  }
0x39: {  	[hbm4b:s6+s2] =	stream.linear.scatter [tilespmem:s9], [sflag:$0x2], $0x10000, $0x38;
	[tilespmem:$0x16000] =	vst v63  }
0x3a: {  	s20 =	simm.s32 $0x1000;
	_ =	swait.ge [sflag:s7], $0x10000  }
0x3b: {  	s22 =	simm.s32 $0x2000;
	s19 =	sadd.s32 $0x2000, s6;
	[sflag:s7] =	ssyncset.done $0x0  }
.LBB2_2:
0x3c: {  	s23 =	sshra.s32 s20, $0x2  }
0x3d: {  	[sflag:s7] =	ssyncadd.s32 $0xFFFF0000;
	s20 =	smov.u32 s22;
	s21 =	sadd.s32 $0x1000, s22  }
0x3e: {  	[tilespmem:s9], [sflag:$0x1] =	stream.indirect.gather [hbm4b:s3+s8], $0x40, s23, s8, $0xb8;
	[tilespmem:$0x16000] =	vst v63  }
0x3f: {  	p0 =	sne.s32 s22, $0x17000;
	s22 =	sadd.s32 $0x80, s23  }
0x40: {  	[tilespmem:s10], [sflag:$0x1] =	stream.indirect.gather [hbm4b:s3+s8], $0x40, s22, s8, $0xb8;
	[tilespmem:$0x16000] =	vst v63  }
0x41: {  	s22 =	sadd.s32 $0x100, s23  }
0x42: {  	[tilespmem:s11], [sflag:$0x1] =	stream.indirect.gather [hbm4b:s3+s8], $0x40, s22, s8, $0xb8;
	[tilespmem:$0x16000] =	vst v63  }
0x43: {  	s22 =	sadd.s32 $0x180, s23  }
0x44: {  	[tilespmem:s12], [sflag:$0x1] =	stream.indirect.gather [hbm4b:s3+s8], $0x40, s22, s8, $0xb8;
	[tilespmem:$0x16000] =	vst v63  }
0x45: {  	s22 =	sadd.s32 $0x200, s23  }
0x46: {  	[tilespmem:s13], [sflag:$0x1] =	stream.indirect.gather [hbm4b:s3+s8], $0x40, s22, s8, $0xb8;
	[tilespmem:$0x16000] =	vst v63  }
0x47: {  	s22 =	sadd.s32 $0x280, s23  }
0x48: {  	[tilespmem:s14], [sflag:$0x1] =	stream.indirect.gather [hbm4b:s3+s8], $0x40, s22, s8, $0xb8;
	[tilespmem:$0x16000] =	vst v63  }
0x49: {  	s22 =	sadd.s32 $0x300, s23  }
0x4a: {  	[tilespmem:s15], [sflag:$0x1] =	stream.indirect.gather [hbm4b:s3+s8], $0x40, s22, s8, $0xb8;
	[tilespmem:$0x16000] =	vst v63  }
0x4b: {  	s22 =	sadd.s32 $0x380, s23  }
0x4c: {  	[tilespmem:s16], [sflag:$0x1] =	stream.indirect.gather [hbm4b:s3+s8], $0x40, s22, s8, $0xb8;
	[tilespmem:$0x16000] =	vst v63  }
0x4d: {  	_ =	swait.ge [sflag:s17], $0x2000  }
0x4e: {  	[sflag:s17] =	ssyncset.done $0x0  }
0x4f: {  	[sflag:s17] =	ssyncadd.s32 $0xFFFFE000  }
0x50: {  	_ =	swait.ge [sflag:s17], $0x2000  }
0x51: {  	[sflag:s17] =	ssyncset.done $0x0  }
0x52: {  	[sflag:s17] =	ssyncadd.s32 $0xFFFFE000  }
0x53: {  	_ =	swait.ge [sflag:s17], $0x2000  }
0x54: {  	[sflag:s17] =	ssyncset.done $0x0  }
0x55: {  	[sflag:s17] =	ssyncadd.s32 $0xFFFFE000  }
0x56: {  	_ =	swait.ge [sflag:s17], $0x2000  }
0x57: {  	[sflag:s17] =	ssyncset.done $0x0  }
0x58: {  	[sflag:s17] =	ssyncadd.s32 $0xFFFFE000  }
0x59: {  	_ =	swait.ge [sflag:s17], $0x2000  }
0x5a: {  	[sflag:s17] =	ssyncset.done $0x0  }
0x5b: {  	[sflag:s17] =	ssyncadd.s32 $0xFFFFE000  }
0x5c: {  	_ =	swait.ge [sflag:s17], $0x2000  }
0x5d: {  	[sflag:s17] =	ssyncset.done $0x0  }
0x5e: {  	[sflag:s17] =	ssyncadd.s32 $0xFFFFE000  }
0x5f: {  	_ =	swait.ge [sflag:s17], $0x2000  }
0x60: {  	[sflag:s17] =	ssyncset.done $0x0  }
0x61: {  	[sflag:s17] =	ssyncadd.s32 $0xFFFFE000  }
0x62: {  	_ =	swait.ge [sflag:s17], $0x2000  }
.Ltmp0:
0x63: {  	[sflag:s17] =	ssyncset.done $0x0;
	(pc) =	sbr.rel @p0 .LBB2_2-.Ltmp0, $4  }
0x64: {  	[sflag:s17] =	ssyncadd.s32 $0xFFFFE000  }
0x65: {  	[hbm4b:s19+s2] =	stream.linear.scatter [tilespmem:s9], [sflag:$0x2], $0x10000, $0x38;
	[tilespmem:$0x16000] =	vst v63  }
0x66: {  	_ =	swait.ge [sflag:s7], $0x10000  }
0x67: {  	s22 =	smov.u32 s21;
	s19 =	sadd.s32 $0x2000, s19;
	[sflag:s7] =	ssyncset.done $0x0  }
0x68: {  	s20 =	sshra.s32 s20, $0x2;
	[sflag:s7] =	ssyncadd.s32 $0xFFFF0000  }
0x69: {  	[tilespmem:s9], [sflag:$0x1] =	stream.indirect.gather [hbm4b:s3+s8], $0x40, s20, s8, $0xb8;
	[tilespmem:$0x16000] =	vst v63  }
0x6a: {  	s21 =	sadd.s32 $0x80, s20  }
0x6b: {  	[tilespmem:s10], [sflag:$0x1] =	stream.indirect.gather [hbm4b:s3+s8], $0x40, s21, s8, $0xb8;
	[tilespmem:$0x16000] =	vst v63  }
0x6c: {  	s26 =	sadd.s32 $0x100, s20  }
0x6d: {  	[tilespmem:s11], [sflag:$0x1] =	stream.indirect.gather [hbm4b:s3+s8], $0x40, s26, s8, $0xb8;
	[tilespmem:$0x16000] =	vst v63  }
0x6e: {  	s28 =	sadd.s32 $0x180, s20  }
0x6f: {  	[tilespmem:s12], [sflag:$0x1] =	stream.indirect.gather [hbm4b:s3+s8], $0x40, s28, s8, $0xb8;
	[tilespmem:$0x16000] =	vst v63  }
0x70: {  	s29 =	sadd.s32 $0x200, s20  }
0x71: {  	[tilespmem:s13], [sflag:$0x1] =	stream.indirect.gather [hbm4b:s3+s8], $0x40, s29, s8, $0xb8;
	[tilespmem:$0x16000] =	vst v63  }
0x72: {  	s30 =	sadd.s32 $0x280, s20  }
0x73: {  	[tilespmem:s14], [sflag:$0x1] =	stream.indirect.gather [hbm4b:s3+s8], $0x40, s30, s8, $0xb8;
	[tilespmem:$0x16000] =	vst v63  }
0x74: {  	s31 =	sadd.s32 $0x300, s20  }
0x75: {  	[tilespmem:s15], [sflag:$0x1] =	stream.indirect.gather [hbm4b:s3+s8], $0x40, s31, s8, $0xb8;
	[tilespmem:$0x16000] =	vst v63  }
0x76: {  	s20 =	sadd.s32 $0x380, s20  }
0x77: {  	[tilespmem:s16], [sflag:$0x1] =	stream.indirect.gather [hbm4b:s3+s8], $0x40, s20, s8, $0xb8;
	[tilespmem:$0x16000] =	vst v63  }
0x78: {  	_ =	swait.ge [sflag:s17], $0x2000  }
0x79: {  	[sflag:s17] =	ssyncset.done $0x0  }
0x7a: {  	[sflag:s17] =	ssyncadd.s32 $0xFFFFE000  }
0x7b: {  	_ =	swait.ge [sflag:s17], $0x2000  }
0x7c: {  	[sflag:s17] =	ssyncset.done $0x0  }
0x7d: {  	[sflag:s17] =	ssyncadd.s32 $0xFFFFE000  }
0x7e: {  	_ =	swait.ge [sflag:s17], $0x2000  }
0x7f: {  	[sflag:s17] =	ssyncset.done $0x0  }
0x80: {  	[sflag:s17] =	ssyncadd.s32 $0xFFFFE000  }
0x81: {  	_ =	swait.ge [sflag:s17], $0x2000  }
0x82: {  	[sflag:s17] =	ssyncset.done $0x0  }
0x83: {  	[sflag:s17] =	ssyncadd.s32 $0xFFFFE000  }
0x84: {  	_ =	swait.ge [sflag:s17], $0x2000  }
0x85: {  	[sflag:s17] =	ssyncset.done $0x0  }
0x86: {  	[sflag:s17] =	ssyncadd.s32 $0xFFFFE000  }
0x87: {  	_ =	swait.ge [sflag:s17], $0x2000  }
0x88: {  	[sflag:s17] =	ssyncset.done $0x0  }
0x89: {  	[sflag:s17] =	ssyncadd.s32 $0xFFFFE000  }
0x8a: {  	_ =	swait.ge [sflag:s17], $0x2000  }
0x8b: {  	[sflag:s17] =	ssyncset.done $0x0  }
0x8c: {  	[sflag:s17] =	ssyncadd.s32 $0xFFFFE000  }
0x8d: {  	s18 =	sadd.s32 $0x1, s18;
	_ =	swait.ge [sflag:s17], $0x2000  }
0x8e: {  	p0 =	sne.s32 s18, s5;
	[sflag:s17] =	ssyncset.done $0x0  }
.Ltmp1:
0x8f: {  	[sflag:s17] =	ssyncadd.s32 $0xFFFFE000;
	(pc) =	sbr.rel @p0 .LBB2_1-.Ltmp1, $4  }
0x90: {  	[hbm4b:s19+s2] =	stream.linear.scatter [tilespmem:s9], [sflag:$0x2], $0x10000, $0x38;
	[tilespmem:$0x16000] =	vst v63  }
0x91: {  	_ =	swait.ge [sflag:s7], $0x10000  }
0x92: {  	[sflag:s7] =	ssyncset.done $0x0  }
0x93: {  	[sflag:s7] =	ssyncadd.s32 $0xFFFF0000  }
0x94: {  	_ =	sfence.sel $0x180000  }
0x95: {  	[bflag:$0x0] =	sbarrier.arrive $0xFFFF  }
0x96: {  	p0 =	sne.s32 s0, $0x0;
	_ =	strace $0x9000004A  }
0x97: {  	s0 =	sadd.s32 @!p0 $0x100000, s1;
	[bflag:$0x2] =	sbarrier.arrive $0xFFFF  }
0x98: {  	[sflag:s0] =	ssyncadd.tile.s32 @!p0 $0x1;
	_ =	shalt  }
.Lfunc_end2:
_tile_overlayer_lowered:
.L_overlay_start_2:
0x99: {  	(tag) =	ssettag $0x2  }
0x9a: {  	s0 =	rddreg [dreg:$0x0];
	s2 =	stileid.u32  }
0x9b: {  	s1 =	rddreg [dreg:$0x1];
	p0 =	sne.s32 s2, $0x0  }
0x9c: {  	s3 =	rddreg [dreg:$0x2];
	[bflag:$0x3] =	sbarrier.arrive $0xFFFF;
	s2 =	simm.s32 @!p0 $0x1C02  }
0x9d: {  	[timem:s3], [sflag:s2] =	dma.local @!p0 [hbm:s0], s1  }
0x9e: {  	s0 =	simm.s32 @!p0 $0x2  }
0x9f: {  	_ =	swait.ge @!p0 [sflag:s0], s1  }
0xa0: {  	s1 =	ssub.s32 @!p0 $0x0, s1;
	[sflag:s0] =	ssyncset.done @!p0 $0x0  }
0xa1: {  	[sflag:s0] =	ssyncadd.s32 @!p0 s1  }
0xa2: {  	[bflag:$0x3] =	sbarrier.arrive $0xFFFF  }
0xa3: {  	_ =	shalt  }

</sc_bundles>
